<compile_context>
chip_gen: v7x
topology: tpu7x:2x2x1
jax: 0.10.2.dev20260603
libtpu: 0.0.44.dev20260713+nightly
codegen_flags: <defaults>
</compile_context>

<pallas_src>
import functools

import jax
import jax.numpy as jnp
from jax import lax
from jax.experimental import pallas as pl
from jax.experimental.pallas import tpu as pltpu
from jax.experimental.pallas import tpu_sc as plsc

K = 8100
D = 256
N_TOK = 8192
TM = 512
N_TILES = N_TOK // TM
KCHUNK = 2704
EPS = 1e-12

_SC_NC = 2
_SC_NS = 16
_NW = _SC_NC * _SC_NS
_BPW = N_TOK // _NW


NWIN = -(-K // KCHUNK)
WPAD = 2816
NGRP = WPAD // 128


def _norm_body(w_ref, wn_ref, wb_ref):
    w = w_ref[...]
    n = jnp.sqrt(jnp.sum(w * w, axis=1, keepdims=True))
    wn = w / jnp.maximum(n, EPS)
    wn_ref[...] = wn
    m2 = (-2.0 * wn).astype(jnp.bfloat16)
    parts = []
    for c0 in range(0, K, KCHUNK):
        nc = min(KCHUNK, K - c0)
        parts.append(m2[c0:c0 + nc, :])
        parts.append(jnp.zeros((WPAD - nc, D), jnp.bfloat16))
    wb_ref[...] = jnp.concatenate(parts, axis=0)


_norm_call = pl.pallas_call(
    _norm_body,
    out_shape=[
        jax.ShapeDtypeStruct((K, D), jnp.float32),
        jax.ShapeDtypeStruct((NWIN * WPAD, D), jnp.bfloat16),
    ],
)


def _tc_body(z_ref, wb_ref, idx_ref):
    z = z_ref[...]
    zn = z / jnp.maximum(jnp.sqrt(jnp.sum(z * z, axis=1, keepdims=True)), EPS)
    zb = zn.astype(jnp.bfloat16)
    lane = lax.broadcasted_iota(jnp.int32, (TM, 128), 1)
    runv = jnp.full((TM,), jnp.inf, jnp.float32)
    runi = jnp.zeros((TM,), jnp.int32)
    for w in range(NWIN):
        c0 = w * KCHUNK
        nc = min(KCHUNK, K - c0)
        s2 = lax.dot_general(zb, wb_ref[w * WPAD:(w + 1) * WPAD, :],
                             (((1,), (1,)), ((), ())),
                             preferred_element_type=jnp.float32)
        d = 2.0 + s2
        groups = [lax.slice(d, (0, 128 * j), (TM, 128 * (j + 1)))
                  for j in range(NGRP)]
        tail = jnp.where(128 * (NGRP - 1) + lane >= nc, jnp.inf, groups[-1])
        groups[-1] = tail
        runmin = groups[0]
        runj = jnp.zeros((TM, 128), jnp.int32)
        for j in range(1, NGRP):
            m = groups[j] < runmin
            runmin = jnp.where(m, groups[j], runmin)
            runj = jnp.where(m, jnp.int32(j), runj)
        vc = jnp.min(runmin, axis=1)
        cand = jnp.where(runmin == vc[:, None], runj * 128 + lane,
                         jnp.int32(1 << 28))
        ic = c0 + jnp.min(cand, axis=1)
        take = vc < runv
        runi = jnp.where(take, ic, runi)
        runv = jnp.where(take, vc, runv).astype(jnp.bfloat16).astype(jnp.float32)
    idx_ref[0, 0, :] = runi


_tc_call = pl.pallas_call(
    _tc_body,
    grid=(N_TILES,),
    in_specs=[
        pl.BlockSpec((TM, D), lambda i: (i, 0)),
        pl.BlockSpec((NWIN * WPAD, D), lambda i: (0, 0)),
    ],
    out_specs=pl.BlockSpec((1, 1, TM), lambda i: (i, 0, 0)),
    out_shape=jax.ShapeDtypeStruct((N_TILES, 1, TM), jnp.int32),
)


def _sc_gather_body(table_hbm, idx_hbm, out_hbm, idx_v, rows_v, sem):
    wid = lax.axis_index("s") * _SC_NC + lax.axis_index("c")
    base = wid * _BPW
    pltpu.sync_copy(idx_hbm.at[pl.ds(base, _BPW)], idx_v)
    pltpu.async_copy(table_hbm.at[idx_v], rows_v, sem).wait()
    pltpu.sync_copy(rows_v, out_hbm.at[pl.ds(base, _BPW)])


@functools.cache
def _sc_gather():
    return functools.partial(
        pl.kernel,
        mesh=plsc.VectorSubcoreMesh(core_axis_name="c", subcore_axis_name="s"),
        out_type=jax.ShapeDtypeStruct((N_TOK, D), jnp.float32),
        scratch_types=[
            pltpu.VMEM((_BPW,), jnp.int32),
            pltpu.VMEM((_BPW, D), jnp.float32),
            pltpu.SemaphoreType.DMA,
        ],
    )(_sc_gather_body)


def kernel(z_e, weight):
    b, d_, h, w_ = z_e.shape
    z = jnp.transpose(z_e, (0, 2, 3, 1)).reshape(-1, d_)
    wn, wb = _norm_call(weight)
    idx3 = _tc_call(z, wb)
    idx_flat = idx3.reshape(-1)
    zq_flat = _sc_gather()(wn, idx_flat)
    z_q = jnp.transpose(zq_flat.reshape(b, h, w_, d_), (0, 3, 1, 2))
    return z_q, idx_flat.reshape(b, h, w_)

# --- scband reference (transcript-rebuilt; emitter-appended) ---
"""Pipeline reference for scband-vector-quantizer-4226247819579 (READ-ONLY COPY).

The authoritative reference and input builder live on the scoring server;
editing this copy changes nothing except your own understanding.
"""

import math
import jax, jax.numpy as jnp
import numpy as np

NUM_EMBEDDINGS_REQ = 8192
GRID_SIZE = int(math.sqrt(NUM_EMBEDDINGS_REQ))  # 90
K = GRID_SIZE ** 2  # 8100
D = 256
B, H, W = 8, 32, 32

def _l2norm(x, eps=1e-12):
    n = jnp.sqrt(jnp.sum(x * x, axis=-1, keepdims=True))
    return x / jnp.clip(n, eps)

def setup_inputs(seed: int = 0) -> dict:
    key = jax.random.key(seed)
    k1, k2 = jax.random.split(key)
    z_e = jax.random.normal(k1, (B, D, H, W), dtype=jnp.float32)
    weight = jax.random.normal(k2, (K, D), dtype=jnp.float32)
    return {"z_e": z_e, "weight": weight}

def reference(z_e, weight):
    z = jnp.transpose(z_e, (0, 2, 3, 1))  # [B, H, W, D]
    input_shape = z.shape
    flat_z_e = _l2norm(z.reshape(-1, D))
    norm_weight = _l2norm(weight)
    distances = 2.0 - 2.0 * jnp.matmul(flat_z_e, norm_weight.T)
    encoding_indices = jnp.argmin(distances, axis=1)
    z_q = jnp.take(norm_weight, encoding_indices, axis=0).reshape(input_shape)
    z_q = jnp.transpose(z_q, (0, 3, 1, 2))
    indices = encoding_indices.reshape(input_shape[0], input_shape[1], input_shape[2])
    return (z_q, indices)

if __name__ == "__main__":
    import jax
    _d = setup_inputs()
    print(jax.jit(kernel)(*tuple(_d.values())))

</pallas_src>

<mosaic_0001>
#map = affine_map<(d0, d1) -> (0, 0)>
#map1 = affine_map<(d0, d1) -> (0)>
module attributes {stable_mosaic.version = 14 : i64} {
  func.func @_sc_gather_body(%arg0: i32, %arg1: i32, %arg2: memref<8100x256xf32, #tpu.memory_space<hbm>>, %arg3: memref<8192xi32, #tpu.memory_space<hbm>>, %arg4: memref<8192x256xf32, #tpu.memory_space<hbm>>, %arg5: memref<256xi32, #tpu.memory_space<vmem>>, %arg6: memref<256x256xf32, #tpu.memory_space<vmem>>, %arg7: memref<!tpu.dma_semaphore, #tpu.memory_space<semaphore_mem>>) attributes {dimension_semantics = [#tpu.dimension_semantics<core_parallel>, #tpu.dimension_semantics<subcore_parallel>], iteration_bounds = array<i64: 2, 16>, scalar_prefetch = 0 : i64, scratch_operands = 3 : i64, tpu.core_type = #tpu.core_type<sc_vector_subcore>, window_params = [{transform_indices = #map}, {transform_indices = #map1}, {transform_indices = #map}]} {
    %mul3A = arith.constant 2 : i32
    %mul3A_0 = arith.muli %arg1, %mul3A : i32
    %add3A = arith.addi %mul3A_0, %arg0 : i32
    %mul3A_1 = arith.constant 256 : i32
    %mul3A_2 = arith.muli %add3A, %mul3A_1 : i32
    "tpu.region"() ({
      %run_scoped3A = tpu.sem_alloc : memref<!tpu.dma_semaphore, #tpu.memory_space<semaphore_mem>>
      %dma_start3A_7 = tpu.memref_slice %arg3[%mul3A_2] : memref<8192xi32, #tpu.memory_space<hbm>> -> memref<256xi32, #tpu.memory_space<hbm>>
      %dma_start3A_8 = tpu.memref_slice %arg3[%mul3A_2] : memref<8192xi32, #tpu.memory_space<hbm>> -> memref<256xi32, #tpu.memory_space<hbm>>
      tpu.enqueue_dma source(%dma_start3A_8 : memref<256xi32, #tpu.memory_space<hbm>>) target(%arg5 : memref<256xi32, #tpu.memory_space<vmem>>) target_semaphore(%run_scoped3A : memref<!tpu.dma_semaphore, #tpu.memory_space<semaphore_mem>>)
      %dma_wait3A_9 = tpu.memref_slice %arg3[%mul3A_2] : memref<8192xi32, #tpu.memory_space<hbm>> -> memref<256xi32, #tpu.memory_space<hbm>>
      %dma_wait3A_10 = tpu.memref_slice %arg3[%mul3A_2] : memref<8192xi32, #tpu.memory_space<hbm>> -> memref<256xi32, #tpu.memory_space<hbm>>
      tpu.wait_dma2 semaphore(%run_scoped3A : memref<!tpu.dma_semaphore, #tpu.memory_space<semaphore_mem>>) src(%dma_wait3A_10 : memref<256xi32, #tpu.memory_space<hbm>>) dst(%arg5 : memref<256xi32, #tpu.memory_space<vmem>>)
      tpu.yield
    }) : () -> ()
    %dma_start3A = arith.constant 0 : i32
    %dma_start3A_3 = arith.constant 0 : i32
    %dma_start3A_4 = tpu.memref_slice %arg2[%dma_start3A, %dma_start3A_3] : memref<8100x256xf32, #tpu.memory_space<hbm>> -> memref<8100x256xf32, #tpu.memory_space<hbm>>
    tpu.enqueue_indirect_dma source(%dma_start3A_4 : memref<8100x256xf32, #tpu.memory_space<hbm>>) target(%arg6 : memref<256x256xf32, #tpu.memory_space<vmem>>) offsets(%arg5 : memref<256xi32, #tpu.memory_space<vmem>>) semaphore(%arg7 : memref<!tpu.dma_semaphore, #tpu.memory_space<semaphore_mem>>)
    %dma_wait3A = arith.constant 0 : i32
    %dma_wait3A_5 = arith.constant 0 : i32
    %dma_wait3A_6 = tpu.memref_slice %arg2[%dma_wait3A, %dma_wait3A_5] : memref<8100x256xf32, #tpu.memory_space<hbm>> -> memref<8100x256xf32, #tpu.memory_space<hbm>>
    tpu.wait_indirect_dma semaphore(%arg7 : memref<!tpu.dma_semaphore, #tpu.memory_space<semaphore_mem>>) src(%dma_wait3A_6 : memref<8100x256xf32, #tpu.memory_space<hbm>>) dst(%arg6 : memref<256x256xf32, #tpu.memory_space<vmem>>)
    "tpu.region"() ({
      %run_scoped3A = tpu.sem_alloc : memref<!tpu.dma_semaphore, #tpu.memory_space<semaphore_mem>>
      %dma_start3A_7 = arith.constant 0 : i32
      %dma_start3A_8 = tpu.memref_slice %arg4[%mul3A_2, %dma_start3A_7] : memref<8192x256xf32, #tpu.memory_space<hbm>> -> memref<256x256xf32, #tpu.memory_space<hbm>>
      %dma_start3A_9 = arith.constant 0 : i32
      %dma_start3A_10 = tpu.memref_slice %arg4[%mul3A_2, %dma_start3A_9] : memref<8192x256xf32, #tpu.memory_space<hbm>> -> memref<256x256xf32, #tpu.memory_space<hbm>>
      tpu.enqueue_dma source(%arg6 : memref<256x256xf32, #tpu.memory_space<vmem>>) target(%dma_start3A_10 : memref<256x256xf32, #tpu.memory_space<hbm>>) target_semaphore(%run_scoped3A : memref<!tpu.dma_semaphore, #tpu.memory_space<semaphore_mem>>)
      %dma_wait3A_11 = arith.constant 0 : i32
      %dma_wait3A_12 = tpu.memref_slice %arg4[%mul3A_2, %dma_wait3A_11] : memref<8192x256xf32, #tpu.memory_space<hbm>> -> memref<256x256xf32, #tpu.memory_space<hbm>>
      %dma_wait3A_13 = arith.constant 0 : i32
      %dma_wait3A_14 = tpu.memref_slice %arg4[%mul3A_2, %dma_wait3A_13] : memref<8192x256xf32, #tpu.memory_space<hbm>> -> memref<256x256xf32, #tpu.memory_space<hbm>>
      tpu.wait_dma2 semaphore(%run_scoped3A : memref<!tpu.dma_semaphore, #tpu.memory_space<semaphore_mem>>) src(%arg6 : memref<256x256xf32, #tpu.memory_space<vmem>>) dst(%dma_wait3A_14 : memref<256x256xf32, #tpu.memory_space<hbm>>)
      tpu.yield
    }) : () -> ()
    return
  }
}

module attributes {stable_mosaic.version = 14 : i64} {
  func.func @_norm_body(%arg0: memref<8100x256xf32, #tpu.memory_space<vmem>>, %arg1: memref<8100x256xf32, #tpu.memory_space<vmem>>, %arg2: memref<8448x256xbf16, #tpu.memory_space<vmem>>) attributes {dimension_semantics = [], scalar_prefetch = 0 : i64, scratch_operands = 0 : i64, tpu.core_type = #tpu.core_type<tc>} {
    %get3A = arith.constant 0 : index
    %get3A_0 = arith.constant 0 : index
    %get3A_1 = vector.load %arg0[%get3A, %get3A_0] : memref<8100x256xf32, #tpu.memory_space<vmem>>, vector<8100x256xf32>
    %mul3A = arith.mulf %get3A_1, %get3A_1 : vector<8100x256xf32>
    %reduce_sum3A = arith.constant dense<0.000000e+00> : vector<8100xf32>
    %reduce_sum3A_2 = vector.multi_reduction <add>, %mul3A, %reduce_sum3A [1] : vector<8100x256xf32> to vector<8100xf32>
    %broadcast_in_dim3A = vector.shape_cast %reduce_sum3A_2 : vector<8100xf32> to vector<8100x1xf32>
    %sqrt3A = math.sqrt %broadcast_in_dim3A : vector<8100x1xf32>
    %max3A = arith.constant 9.99999996E-13 : f32
    %max3A_3 = vector.broadcast %max3A : f32 to vector<8100x1xf32>
    %max3A_4 = arith.maximumf %sqrt3A, %max3A_3 : vector<8100x1xf32>
    %div3A = vector.broadcast %max3A_4 : vector<8100x1xf32> to vector<8100x256xf32>
    %div3A_5 = arith.divf %get3A_1, %div3A : vector<8100x256xf32>
    %swap3A = arith.constant 0 : index
    %swap3A_6 = arith.constant 0 : index
    %swap3A_7 = vector.load %arg1[%swap3A, %swap3A_6] : memref<8100x256xf32, #tpu.memory_space<vmem>>, vector<8100x256xf32>
    tpu.vector_store %arg1[%swap3A, %swap3A_6], %div3A_5 {strides = array<i32>} : memref<8100x256xf32, #tpu.memory_space<vmem>>, vector<8100x256xf32>,
    %mul3A_8 = arith.constant -2.000000e+00 : f32
    %mul3A_9 = vector.broadcast %mul3A_8 : f32 to vector<8100x256xf32>
    %mul3A_10 = arith.mulf %mul3A_9, %div3A_5 : vector<8100x256xf32>
    %convert_element_type3A = arith.truncf %mul3A_10 : vector<8100x256xf32> to vector<8100x256xbf16>
    %slice3A = vector.extract_strided_slice %convert_element_type3A {offsets = [0, 0], sizes = [2704, 256], strides = [1, 1]} : vector<8100x256xbf16> to vector<2704x256xbf16>
    %broadcast_in_dim3A_11 = arith.constant 0.000000e+00 : bf16
    %broadcast_in_dim3A_12 = vector.broadcast %broadcast_in_dim3A_11 : bf16 to vector<112x256xbf16>
    %slice3A_13 = vector.extract_strided_slice %convert_element_type3A {offsets = [2704, 0], sizes = [2704, 256], strides = [1, 1]} : vector<8100x256xbf16> to vector<2704x256xbf16>
    %broadcast_in_dim3A_14 = arith.constant 0.000000e+00 : bf16
    %broadcast_in_dim3A_15 = vector.broadcast %broadcast_in_dim3A_14 : bf16 to vector<112x256xbf16>
    %slice3A_16 = vector.extract_strided_slice %convert_element_type3A {offsets = [5408, 0], sizes = [2692, 256], strides = [1, 1]} : vector<8100x256xbf16> to vector<2692x256xbf16>
    %broadcast_in_dim3A_17 = arith.constant 0.000000e+00 : bf16
    %broadcast_in_dim3A_18 = vector.broadcast %broadcast_in_dim3A_17 : bf16 to vector<124x256xbf16>
    %concatenate3A = tpu.concatenate %slice3A, %broadcast_in_dim3A_12, %slice3A_13, %broadcast_in_dim3A_15, %slice3A_16, %broadcast_in_dim3A_18 in 0 : vector<2704x256xbf16>, vector<112x256xbf16>, vector<2704x256xbf16>, vector<112x256xbf16>, vector<2692x256xbf16>, vector<124x256xbf16> -> vector<8448x256xbf16>
    %swap3A_19 = arith.constant 0 : index
    %swap3A_20 = arith.constant 0 : index
    %swap3A_21 = vector.load %arg2[%swap3A_19, %swap3A_20] : memref<8448x256xbf16, #tpu.memory_space<vmem>>, vector<8448x256xbf16>
    tpu.vector_store %arg2[%swap3A_19, %swap3A_20], %concatenate3A {strides = array<i32>} : memref<8448x256xbf16, #tpu.memory_space<vmem>>, vector<8448x256xbf16>,
    return
  }
}

module attributes {stable_mosaic.version = 14 : i64} {
  func.func @_tc_body(%arg0: i32, %arg1: memref<512x256xf32, #tpu.memory_space<vmem>>, %arg2: memref<8448x256xbf16, #tpu.memory_space<vmem>>, %arg3: memref<1x1x512xi32, #tpu.memory_space<vmem>>) attributes {dimension_semantics = [#tpu.dimension_semantics<arbitrary>], iteration_bounds = array<i64: 16>, scalar_prefetch = 0 : i64, scratch_operands = 0 : i64, tpu.core_type = #tpu.core_type<tc>, window_params = [{transform_indices = @transform_0, window_bounds = array<i64: 512, 256>}, {pipeline_mode = #tpu.pipeline_mode<synchronous>, transform_indices = @transform_1, window_bounds = array<i64: 8448, 256>}, {transform_indices = @transform_2, window_bounds = array<i64: 1, 1, 512>}]} {
    %get3A = arith.constant 0 : index
    %get3A_0 = arith.constant 0 : index
    %get3A_1 = vector.load %arg1[%get3A, %get3A_0] : memref<512x256xf32, #tpu.memory_space<vmem>>, vector<512x256xf32>
    %mul3A = arith.mulf %get3A_1, %get3A_1 : vector<512x256xf32>
    %reduce_sum3A = arith.constant dense<0.000000e+00> : vector<512xf32>
    %reduce_sum3A_2 = vector.multi_reduction <add>, %mul3A, %reduce_sum3A [1] : vector<512x256xf32> to vector<512xf32>
    %broadcast_in_dim3A = vector.shape_cast %reduce_sum3A_2 : vector<512xf32> to vector<512x1xf32>
    %sqrt3A = math.sqrt %broadcast_in_dim3A : vector<512x1xf32>
    %max3A = arith.constant 9.99999996E-13 : f32
    %max3A_3 = vector.broadcast %max3A : f32 to vector<512x1xf32>
    %max3A_4 = arith.maximumf %sqrt3A, %max3A_3 : vector<512x1xf32>
    %div3A = vector.broadcast %max3A_4 : vector<512x1xf32> to vector<512x256xf32>
    %div3A_5 = arith.divf %get3A_1, %div3A : vector<512x256xf32>
    %convert_element_type3A = arith.truncf %div3A_5 : vector<512x256xf32> to vector<512x256xbf16>
    %iota3A = tpu.iota {dimensions = array<i32: 1>} : vector<512x128xi32>
    %broadcast_in_dim3A_6 = arith.constant 0x7F800000 : f32
    %broadcast_in_dim3A_7 = vector.broadcast %broadcast_in_dim3A_6 : f32 to vector<512xf32>
    %broadcast_in_dim3A_8 = arith.constant 0 : i32
    %broadcast_in_dim3A_9 = vector.broadcast %broadcast_in_dim3A_8 : i32 to vector<512xi32>
    %get3A_10 = arith.constant 0 : index
    %get3A_11 = arith.constant 0 : index
    %get3A_12 = vector.load %arg2[%get3A_10, %get3A_11] : memref<8448x256xbf16, #tpu.memory_space<vmem>>, vector<2816x256xbf16>
    %dot_general3A = arith.constant dense<0.000000e+00> : vector<512x2816xf32>
    %dot_general3A_13 = tpu.matmul %convert_element_type3A, %get3A_12, %dot_general3A {dimension_numbers = #tpu.dot_dimension_numbers<[1], [1], [0], [0], [0, 0, 1, 0], [], []>, transpose_lhs_hint = false} : vector<512x256xbf16>, vector<2816x256xbf16>, vector<512x2816xf32> -> vector<512x2816xf32>
    %add3A = arith.constant 2.000000e+00 : f32
    %add3A_14 = vector.broadcast %add3A : f32 to vector<512x2816xf32>
    %add3A_15 = arith.addf %add3A_14, %dot_general3A_13 : vector<512x2816xf32>
    %slice3A = vector.extract_strided_slice %add3A_15 {offsets = [0, 0], sizes = [512, 128], strides = [1, 1]} : vector<512x2816xf32> to vector<512x128xf32>
    %slice3A_16 = vector.extract_strided_slice %add3A_15 {offsets = [0, 128], sizes = [512, 128], strides = [1, 1]} : vector<512x2816xf32> to vector<512x128xf32>
    %slice3A_17 = vector.extract_strided_slice %add3A_15 {offsets = [0, 256], sizes = [512, 128], strides = [1, 1]} : vector<512x2816xf32> to vector<512x128xf32>
    %slice3A_18 = vector.extract_strided_slice %add3A_15 {offsets = [0, 384], sizes = [512, 128], strides = [1, 1]} : vector<512x2816xf32> to vector<512x128xf32>
    %slice3A_19 = vector.extract_strided_slice %add3A_15 {offsets = [0, 512], sizes = [512, 128], strides = [1, 1]} : vector<512x2816xf32> to vector<512x128xf32>
    %slice3A_20 = vector.extract_strided_slice %add3A_15 {offsets = [0, 640], sizes = [512, 128], strides = [1, 1]} : vector<512x2816xf32> to vector<512x128xf32>
    %slice3A_21 = vector.extract_strided_slice %add3A_15 {offsets = [0, 768], sizes = [512, 128], strides = [1, 1]} : vector<512x2816xf32> to vector<512x128xf32>
    %slice3A_22 = vector.extract_strided_slice %add3A_15 {offsets = [0, 896], sizes = [512, 128], strides = [1, 1]} : vector<512x2816xf32> to vector<512x128xf32>
    %slice3A_23 = vector.extract_strided_slice %add3A_15 {offsets = [0, 1024], sizes = [512, 128], strides = [1, 1]} : vector<512x2816xf32> to vector<512x128xf32>
    %slice3A_24 = vector.extract_strided_slice %add3A_15 {offsets = [0, 1152], sizes = [512, 128], strides = [1, 1]} : vector<512x2816xf32> to vector<512x128xf32>
    %slice3A_25 = vector.extract_strided_slice %add3A_15 {offsets = [0, 1280], sizes = [512, 128], strides = [1, 1]} : vector<512x2816xf32> to vector<512x128xf32>
    %slice3A_26 = vector.extract_strided_slice %add3A_15 {offsets = [0, 1408], sizes = [512, 128], strides = [1, 1]} : vector<512x2816xf32> to vector<512x128xf32>
    %slice3A_27 = vector.extract_strided_slice %add3A_15 {offsets = [0, 1536], sizes = [512, 128], strides = [1, 1]} : vector<512x2816xf32> to vector<512x128xf32>
    %slice3A_28 = vector.extract_strided_slice %add3A_15 {offsets = [0, 1664], sizes = [512, 128], strides = [1, 1]} : vector<512x2816xf32> to vector<512x128xf32>
    %slice3A_29 = vector.extract_strided_slice %add3A_15 {offsets = [0, 1792], sizes = [512, 128], strides = [1, 1]} : vector<512x2816xf32> to vector<512x128xf32>
    %slice3A_30 = vector.extract_strided_slice %add3A_15 {offsets = [0, 1920], sizes = [512, 128], strides = [1, 1]} : vector<512x2816xf32> to vector<512x128xf32>
    %slice3A_31 = vector.extract_strided_slice %add3A_15 {offsets = [0, 2048], sizes = [512, 128], strides = [1, 1]} : vector<512x2816xf32> to vector<512x128xf32>
    %slice3A_32 = vector.extract_strided_slice %add3A_15 {offsets = [0, 2176], sizes = [512, 128], strides = [1, 1]} : vector<512x2816xf32> to vector<512x128xf32>
    %slice3A_33 = vector.extract_strided_slice %add3A_15 {offsets = [0, 2304], sizes = [512, 128], strides = [1, 1]} : vector<512x2816xf32> to vector<512x128xf32>
    %slice3A_34 = vector.extract_strided_slice %add3A_15 {offsets = [0, 2432], sizes = [512, 128], strides = [1, 1]} : vector<512x2816xf32> to vector<512x128xf32>
    %slice3A_35 = vector.extract_strided_slice %add3A_15 {offsets = [0, 2560], sizes = [512, 128], strides = [1, 1]} : vector<512x2816xf32> to vector<512x128xf32>
    %slice3A_36 = vector.extract_strided_slice %add3A_15 {offsets = [0, 2688], sizes = [512, 128], strides = [1, 1]} : vector<512x2816xf32> to vector<512x128xf32>
    %add3A_37 = arith.constant 2688 : i32
    %add3A_38 = vector.broadcast %add3A_37 : i32 to vector<512x128xi32>
    %add3A_39 = arith.addi %add3A_38, %iota3A : vector<512x128xi32>
    %ge3A = arith.constant 2704 : i32
    %ge3A_40 = vector.broadcast %ge3A : i32 to vector<512x128xi32>
    %ge3A_41 = arith.cmpi sge, %add3A_39, %ge3A_40 : vector<512x128xi32>
    %jit3A = arith.constant 0x7F800000 : f32
    %broadcast_in_dim3A_42 = vector.broadcast %jit3A : f32 to vector<512x128xf32>
    %select_n3A = arith.select %ge3A_41, %broadcast_in_dim3A_42, %slice3A_36 : vector<512x128xi1>, vector<512x128xf32>
    %broadcast_in_dim3A_43 = arith.constant 0 : i32
    %broadcast_in_dim3A_44 = vector.broadcast %broadcast_in_dim3A_43 : i32 to vector<512x128xi32>
    %lt3A = arith.cmpf olt, %slice3A_16, %slice3A : vector<512x128xf32>
    %select_n3A_45 = arith.select %lt3A, %slice3A_16, %slice3A : vector<512x128xi1>, vector<512x128xf32>
    %jit3A_46 = arith.constant 1 : i32
    %broadcast_in_dim3A_47 = vector.broadcast %jit3A_46 : i32 to vector<512x128xi32>
    %select_n3A_48 = arith.select %lt3A, %broadcast_in_dim3A_47, %broadcast_in_dim3A_44 : vector<512x128xi1>, vector<512x128xi32>
    %lt3A_49 = arith.cmpf olt, %slice3A_17, %select_n3A_45 : vector<512x128xf32>
    %select_n3A_50 = arith.select %lt3A_49, %slice3A_17, %select_n3A_45 : vector<512x128xi1>, vector<512x128xf32>
    %jit3A_51 = arith.constant 2 : i32
    %broadcast_in_dim3A_52 = vector.broadcast %jit3A_51 : i32 to vector<512x128xi32>
    %select_n3A_53 = arith.select %lt3A_49, %broadcast_in_dim3A_52, %select_n3A_48 : vector<512x128xi1>, vector<512x128xi32>
    %lt3A_54 = arith.cmpf olt, %slice3A_18, %select_n3A_50 : vector<512x128xf32>
    %select_n3A_55 = arith.select %lt3A_54, %slice3A_18, %select_n3A_50 : vector<512x128xi1>, vector<512x128xf32>
    %jit3A_56 = arith.constant 3 : i32
    %broadcast_in_dim3A_57 = vector.broadcast %jit3A_56 : i32 to vector<512x128xi32>
    %select_n3A_58 = arith.select %lt3A_54, %broadcast_in_dim3A_57, %select_n3A_53 : vector<512x128xi1>, vector<512x128xi32>
    %lt3A_59 = arith.cmpf olt, %slice3A_19, %select_n3A_55 : vector<512x128xf32>
    %select_n3A_60 = arith.select %lt3A_59, %slice3A_19, %select_n3A_55 : vector<512x128xi1>, vector<512x128xf32>
    %jit3A_61 = arith.constant 4 : i32
    %broadcast_in_dim3A_62 = vector.broadcast %jit3A_61 : i32 to vector<512x128xi32>
    %select_n3A_63 = arith.select %lt3A_59, %broadcast_in_dim3A_62, %select_n3A_58 : vector<512x128xi1>, vector<512x128xi32>
    %lt3A_64 = arith.cmpf olt, %slice3A_20, %select_n3A_60 : vector<512x128xf32>
    %select_n3A_65 = arith.select %lt3A_64, %slice3A_20, %select_n3A_60 : vector<512x128xi1>, vector<512x128xf32>
    %jit3A_66 = arith.constant 5 : i32
    %broadcast_in_dim3A_67 = vector.broadcast %jit3A_66 : i32 to vector<512x128xi32>
    %select_n3A_68 = arith.select %lt3A_64, %broadcast_in_dim3A_67, %select_n3A_63 : vector<512x128xi1>, vector<512x128xi32>
    %lt3A_69 = arith.cmpf olt, %slice3A_21, %select_n3A_65 : vector<512x128xf32>
    %select_n3A_70 = arith.select %lt3A_69, %slice3A_21, %select_n3A_65 : vector<512x128xi1>, vector<512x128xf32>
    %jit3A_71 = arith.constant 6 : i32
    %broadcast_in_dim3A_72 = vector.broadcast %jit3A_71 : i32 to vector<512x128xi32>
    %select_n3A_73 = arith.select %lt3A_69, %broadcast_in_dim3A_72, %select_n3A_68 : vector<512x128xi1>, vector<512x128xi32>
    %lt3A_74 = arith.cmpf olt, %slice3A_22, %select_n3A_70 : vector<512x128xf32>
    %select_n3A_75 = arith.select %lt3A_74, %slice3A_22, %select_n3A_70 : vector<512x128xi1>, vector<512x128xf32>
    %jit3A_76 = arith.constant 7 : i32
    %broadcast_in_dim3A_77 = vector.broadcast %jit3A_76 : i32 to vector<512x128xi32>
    %select_n3A_78 = arith.select %lt3A_74, %broadcast_in_dim3A_77, %select_n3A_73 : vector<512x128xi1>, vector<512x128xi32>
    %lt3A_79 = arith.cmpf olt, %slice3A_23, %select_n3A_75 : vector<512x128xf32>
    %select_n3A_80 = arith.select %lt3A_79, %slice3A_23, %select_n3A_75 : vector<512x128xi1>, vector<512x128xf32>
    %jit3A_81 = arith.constant 8 : i32
    %broadcast_in_dim3A_82 = vector.broadcast %jit3A_81 : i32 to vector<512x128xi32>
    %select_n3A_83 = arith.select %lt3A_79, %broadcast_in_dim3A_82, %select_n3A_78 : vector<512x128xi1>, vector<512x128xi32>
    %lt3A_84 = arith.cmpf olt, %slice3A_24, %select_n3A_80 : vector<512x128xf32>
    %select_n3A_85 = arith.select %lt3A_84, %slice3A_24, %select_n3A_80 : vector<512x128xi1>, vector<512x128xf32>
    %jit3A_86 = arith.constant 9 : i32
    %broadcast_in_dim3A_87 = vector.broadcast %jit3A_86 : i32 to vector<512x128xi32>
    %select_n3A_88 = arith.select %lt3A_84, %broadcast_in_dim3A_87, %select_n3A_83 : vector<512x128xi1>, vector<512x128xi32>
    %lt3A_89 = arith.cmpf olt, %slice3A_25, %select_n3A_85 : vector<512x128xf32>
    %select_n3A_90 = arith.select %lt3A_89, %slice3A_25, %select_n3A_85 : vector<512x128xi1>, vector<512x128xf32>
    %jit3A_91 = arith.constant 10 : i32
    %broadcast_in_dim3A_92 = vector.broadcast %jit3A_91 : i32 to vector<512x128xi32>
    %select_n3A_93 = arith.select %lt3A_89, %broadcast_in_dim3A_92, %select_n3A_88 : vector<512x128xi1>, vector<512x128xi32>
    %lt3A_94 = arith.cmpf olt, %slice3A_26, %select_n3A_90 : vector<512x128xf32>
    %select_n3A_95 = arith.select %lt3A_94, %slice3A_26, %select_n3A_90 : vector<512x128xi1>, vector<512x128xf32>
    %jit3A_96 = arith.constant 11 : i32
    %broadcast_in_dim3A_97 = vector.broadcast %jit3A_96 : i32 to vector<512x128xi32>
    %select_n3A_98 = arith.select %lt3A_94, %broadcast_in_dim3A_97, %select_n3A_93 : vector<512x128xi1>, vector<512x128xi32>
    %lt3A_99 = arith.cmpf olt, %slice3A_27, %select_n3A_95 : vector<512x128xf32>
    %select_n3A_100 = arith.select %lt3A_99, %slice3A_27, %select_n3A_95 : vector<512x128xi1>, vector<512x128xf32>
    %jit3A_101 = arith.constant 12 : i32
    %broadcast_in_dim3A_102 = vector.broadcast %jit3A_101 : i32 to vector<512x128xi32>
    %select_n3A_103 = arith.select %lt3A_99, %broadcast_in_dim3A_102, %select_n3A_98 : vector<512x128xi1>, vector<512x128xi32>
    %lt3A_104 = arith.cmpf olt, %slice3A_28, %select_n3A_100 : vector<512x128xf32>
    %select_n3A_105 = arith.select %lt3A_104, %slice3A_28, %select_n3A_100 : vector<512x128xi1>, vector<512x128xf32>
    %jit3A_106 = arith.constant 13 : i32
    %broadcast_in_dim3A_107 = vector.broadcast %jit3A_106 : i32 to vector<512x128xi32>
    %select_n3A_108 = arith.select %lt3A_104, %broadcast_in_dim3A_107, %select_n3A_103 : vector<512x128xi1>, vector<512x128xi32>
    %lt3A_109 = arith.cmpf olt, %slice3A_29, %select_n3A_105 : vector<512x128xf32>
    %select_n3A_110 = arith.select %lt3A_109, %slice3A_29, %select_n3A_105 : vector<512x128xi1>, vector<512x128xf32>
    %jit3A_111 = arith.constant 14 : i32
    %broadcast_in_dim3A_112 = vector.broadcast %jit3A_111 : i32 to vector<512x128xi32>
    %select_n3A_113 = arith.select %lt3A_109, %broadcast_in_dim3A_112, %select_n3A_108 : vector<512x128xi1>, vector<512x128xi32>
    %lt3A_114 = arith.cmpf olt, %slice3A_30, %select_n3A_110 : vector<512x128xf32>
    %select_n3A_115 = arith.select %lt3A_114, %slice3A_30, %select_n3A_110 : vector<512x128xi1>, vector<512x128xf32>
    %jit3A_116 = arith.constant 15 : i32
    %broadcast_in_dim3A_117 = vector.broadcast %jit3A_116 : i32 to vector<512x128xi32>
    %select_n3A_118 = arith.select %lt3A_114, %broadcast_in_dim3A_117, %select_n3A_113 : vector<512x128xi1>, vector<512x128xi32>
    %lt3A_119 = arith.cmpf olt, %slice3A_31, %select_n3A_115 : vector<512x128xf32>
    %select_n3A_120 = arith.select %lt3A_119, %slice3A_31, %select_n3A_115 : vector<512x128xi1>, vector<512x128xf32>
    %jit3A_121 = arith.constant 16 : i32
    %broadcast_in_dim3A_122 = vector.broadcast %jit3A_121 : i32 to vector<512x128xi32>
    %select_n3A_123 = arith.select %lt3A_119, %broadcast_in_dim3A_122, %select_n3A_118 : vector<512x128xi1>, vector<512x128xi32>
    %lt3A_124 = arith.cmpf olt, %slice3A_32, %select_n3A_120 : vector<512x128xf32>
    %select_n3A_125 = arith.select %lt3A_124, %slice3A_32, %select_n3A_120 : vector<512x128xi1>, vector<512x128xf32>
    %jit3A_126 = arith.constant 17 : i32
    %broadcast_in_dim3A_127 = vector.broadcast %jit3A_126 : i32 to vector<512x128xi32>
    %select_n3A_128 = arith.select %lt3A_124, %broadcast_in_dim3A_127, %select_n3A_123 : vector<512x128xi1>, vector<512x128xi32>
    %lt3A_129 = arith.cmpf olt, %slice3A_33, %select_n3A_125 : vector<512x128xf32>
    %select_n3A_130 = arith.select %lt3A_129, %slice3A_33, %select_n3A_125 : vector<512x128xi1>, vector<512x128xf32>
    %jit3A_131 = arith.constant 18 : i32
    %broadcast_in_dim3A_132 = vector.broadcast %jit3A_131 : i32 to vector<512x128xi32>
    %select_n3A_133 = arith.select %lt3A_129, %broadcast_in_dim3A_132, %select_n3A_128 : vector<512x128xi1>, vector<512x128xi32>
    %lt3A_134 = arith.cmpf olt, %slice3A_34, %select_n3A_130 : vector<512x128xf32>
    %select_n3A_135 = arith.select %lt3A_134, %slice3A_34, %select_n3A_130 : vector<512x128xi1>, vector<512x128xf32>
    %jit3A_136 = arith.constant 19 : i32
    %broadcast_in_dim3A_137 = vector.broadcast %jit3A_136 : i32 to vector<512x128xi32>
    %select_n3A_138 = arith.select %lt3A_134, %broadcast_in_dim3A_137, %select_n3A_133 : vector<512x128xi1>, vector<512x128xi32>
    %lt3A_139 = arith.cmpf olt, %slice3A_35, %select_n3A_135 : vector<512x128xf32>
    %select_n3A_140 = arith.select %lt3A_139, %slice3A_35, %select_n3A_135 : vector<512x128xi1>, vector<512x128xf32>
    %jit3A_141 = arith.constant 20 : i32
    %broadcast_in_dim3A_142 = vector.broadcast %jit3A_141 : i32 to vector<512x128xi32>
    %select_n3A_143 = arith.select %lt3A_139, %broadcast_in_dim3A_142, %select_n3A_138 : vector<512x128xi1>, vector<512x128xi32>
    %lt3A_144 = arith.cmpf olt, %select_n3A, %select_n3A_140 : vector<512x128xf32>
    %select_n3A_145 = arith.select %lt3A_144, %select_n3A, %select_n3A_140 : vector<512x128xi1>, vector<512x128xf32>
    %jit3A_146 = arith.constant 21 : i32
    %broadcast_in_dim3A_147 = vector.broadcast %jit3A_146 : i32 to vector<512x128xi32>
    %select_n3A_148 = arith.select %lt3A_144, %broadcast_in_dim3A_147, %select_n3A_143 : vector<512x128xi1>, vector<512x128xi32>
    %reduce_min3A = arith.constant dense<0x7F800000> : vector<512xf32>
    %reduce_min3A_149 = vector.multi_reduction <minimumf>, %select_n3A_145, %reduce_min3A [1] : vector<512x128xf32> to vector<512xf32>
    %broadcast_in_dim3A_150 = vector.shape_cast %reduce_min3A_149 : vector<512xf32> to vector<512x1xf32>
    %eq3A = vector.broadcast %broadcast_in_dim3A_150 : vector<512x1xf32> to vector<512x128xf32>
    %eq3A_151 = arith.cmpf oeq, %select_n3A_145, %eq3A : vector<512x128xf32>
    %mul3A_152 = arith.constant 128 : i32
    %mul3A_153 = vector.broadcast %mul3A_152 : i32 to vector<512x128xi32>
    %mul3A_154 = arith.muli %select_n3A_148, %mul3A_153 : vector<512x128xi32>
    %add3A_155 = arith.addi %mul3A_154, %iota3A : vector<512x128xi32>
    %jit3A_156 = arith.constant 268435456 : i32
    %broadcast_in_dim3A_157 = vector.broadcast %jit3A_156 : i32 to vector<512x128xi32>
    %select_n3A_158 = arith.select %eq3A_151, %add3A_155, %broadcast_in_dim3A_157 : vector<512x128xi1>, vector<512x128xi32>
    %reduce_min3A_159 = arith.constant dense<2147483647> : vector<512xi32>
    %reduce_min3A_160 = vector.multi_reduction <minsi>, %select_n3A_158, %reduce_min3A_159 [1] : vector<512x128xi32> to vector<512xi32>
    %add3A_161 = arith.constant 0 : i32
    %add3A_162 = vector.broadcast %add3A_161 : i32 to vector<512xi32>
    %add3A_163 = arith.addi %add3A_162, %reduce_min3A_160 : vector<512xi32>
    %lt3A_164 = arith.cmpf olt, %reduce_min3A_149, %broadcast_in_dim3A_7 : vector<512xf32>
    %select_n3A_165 = arith.select %lt3A_164, %add3A_163, %broadcast_in_dim3A_9 : vector<512xi1>, vector<512xi32>
    %select_n3A_166 = arith.select %lt3A_164, %reduce_min3A_149, %broadcast_in_dim3A_7 : vector<512xi1>, vector<512xf32>
    %convert_element_type3A_167 = arith.truncf %select_n3A_166 : vector<512xf32> to vector<512xbf16>
    %convert_element_type3A_168 = arith.extf %convert_element_type3A_167 : vector<512xbf16> to vector<512xf32>
    %get3A_169 = arith.constant 2816 : index
    %get3A_170 = arith.constant 0 : index
    %get3A_171 = vector.load %arg2[%get3A_169, %get3A_170] : memref<8448x256xbf16, #tpu.memory_space<vmem>>, vector<2816x256xbf16>
    %dot_general3A_172 = arith.constant dense<0.000000e+00> : vector<512x2816xf32>
    %dot_general3A_173 = tpu.matmul %convert_element_type3A, %get3A_171, %dot_general3A_172 {dimension_numbers = #tpu.dot_dimension_numbers<[1], [1], [0], [0], [0, 0, 1, 0], [], []>, transpose_lhs_hint = false} : vector<512x256xbf16>, vector<2816x256xbf16>, vector<512x2816xf32> -> vector<512x2816xf32>
    %add3A_174 = arith.constant 2.000000e+00 : f32
    %add3A_175 = vector.broadcast %add3A_174 : f32 to vector<512x2816xf32>
    %add3A_176 = arith.addf %add3A_175, %dot_general3A_173 : vector<512x2816xf32>
    %slice3A_177 = vector.extract_strided_slice %add3A_176 {offsets = [0, 0], sizes = [512, 128], strides = [1, 1]} : vector<512x2816xf32> to vector<512x128xf32>
    %slice3A_178 = vector.extract_strided_slice %add3A_176 {offsets = [0, 128], sizes = [512, 128], strides = [1, 1]} : vector<512x2816xf32> to vector<512x128xf32>
    %slice3A_179 = vector.extract_strided_slice %add3A_176 {offsets = [0, 256], sizes = [512, 128], strides = [1, 1]} : vector<512x2816xf32> to vector<512x128xf32>
    %slice3A_180 = vector.extract_strided_slice %add3A_176 {offsets = [0, 384], sizes = [512, 128], strides = [1, 1]} : vector<512x2816xf32> to vector<512x128xf32>
    %slice3A_181 = vector.extract_strided_slice %add3A_176 {offsets = [0, 512], sizes = [512, 128], strides = [1, 1]} : vector<512x2816xf32> to vector<512x128xf32>
    %slice3A_182 = vector.extract_strided_slice %add3A_176 {offsets = [0, 640], sizes = [512, 128], strides = [1, 1]} : vector<512x2816xf32> to vector<512x128xf32>
    %slice3A_183 = vector.extract_strided_slice %add3A_176 {offsets = [0, 768], sizes = [512, 128], strides = [1, 1]} : vector<512x2816xf32> to vector<512x128xf32>
    %slice3A_184 = vector.extract_strided_slice %add3A_176 {offsets = [0, 896], sizes = [512, 128], strides = [1, 1]} : vector<512x2816xf32> to vector<512x128xf32>
    %slice3A_185 = vector.extract_strided_slice %add3A_176 {offsets = [0, 1024], sizes = [512, 128], strides = [1, 1]} : vector<512x2816xf32> to vector<512x128xf32>
    %slice3A_186 = vector.extract_strided_slice %add3A_176 {offsets = [0, 1152], sizes = [512, 128], strides = [1, 1]} : vector<512x2816xf32> to vector<512x128xf32>
    %slice3A_187 = vector.extract_strided_slice %add3A_176 {offsets = [0, 1280], sizes = [512, 128], strides = [1, 1]} : vector<512x2816xf32> to vector<512x128xf32>
    %slice3A_188 = vector.extract_strided_slice %add3A_176 {offsets = [0, 1408], sizes = [512, 128], strides = [1, 1]} : vector<512x2816xf32> to vector<512x128xf32>
    %slice3A_189 = vector.extract_strided_slice %add3A_176 {offsets = [0, 1536], sizes = [512, 128], strides = [1, 1]} : vector<512x2816xf32> to vector<512x128xf32>
    %slice3A_190 = vector.extract_strided_slice %add3A_176 {offsets = [0, 1664], sizes = [512, 128], strides = [1, 1]} : vector<512x2816xf32> to vector<512x128xf32>
    %slice3A_191 = vector.extract_strided_slice %add3A_176 {offsets = [0, 1792], sizes = [512, 128], strides = [1, 1]} : vector<512x2816xf32> to vector<512x128xf32>
    %slice3A_192 = vector.extract_strided_slice %add3A_176 {offsets = [0, 1920], sizes = [512, 128], strides = [1, 1]} : vector<512x2816xf32> to vector<512x128xf32>
    %slice3A_193 = vector.extract_strided_slice %add3A_176 {offsets = [0, 2048], sizes = [512, 128], strides = [1, 1]} : vector<512x2816xf32> to vector<512x128xf32>
    %slice3A_194 = vector.extract_strided_slice %add3A_176 {offsets = [0, 2176], sizes = [512, 128], strides = [1, 1]} : vector<512x2816xf32> to vector<512x128xf32>
    %slice3A_195 = vector.extract_strided_slice %add3A_176 {offsets = [0, 2304], sizes = [512, 128], strides = [1, 1]} : vector<512x2816xf32> to vector<512x128xf32>
    %slice3A_196 = vector.extract_strided_slice %add3A_176 {offsets = [0, 2432], sizes = [512, 128], strides = [1, 1]} : vector<512x2816xf32> to vector<512x128xf32>
    %slice3A_197 = vector.extract_strided_slice %add3A_176 {offsets = [0, 2560], sizes = [512, 128], strides = [1, 1]} : vector<512x2816xf32> to vector<512x128xf32>
    %slice3A_198 = vector.extract_strided_slice %add3A_176 {offsets = [0, 2688], sizes = [512, 128], strides = [1, 1]} : vector<512x2816xf32> to vector<512x128xf32>
    %add3A_199 = arith.constant 2688 : i32
    %add3A_200 = vector.broadcast %add3A_199 : i32 to vector<512x128xi32>
    %add3A_201 = arith.addi %add3A_200, %iota3A : vector<512x128xi32>
    %ge3A_202 = arith.constant 2704 : i32
    %ge3A_203 = vector.broadcast %ge3A_202 : i32 to vector<512x128xi32>
    %ge3A_204 = arith.cmpi sge, %add3A_201, %ge3A_203 : vector<512x128xi32>
    %jit3A_205 = arith.constant 0x7F800000 : f32
    %broadcast_in_dim3A_206 = vector.broadcast %jit3A_205 : f32 to vector<512x128xf32>
    %select_n3A_207 = arith.select %ge3A_204, %broadcast_in_dim3A_206, %slice3A_198 : vector<512x128xi1>, vector<512x128xf32>
    %broadcast_in_dim3A_208 = arith.constant 0 : i32
    %broadcast_in_dim3A_209 = vector.broadcast %broadcast_in_dim3A_208 : i32 to vector<512x128xi32>
    %lt3A_210 = arith.cmpf olt, %slice3A_178, %slice3A_177 : vector<512x128xf32>
    %select_n3A_211 = arith.select %lt3A_210, %slice3A_178, %slice3A_177 : vector<512x128xi1>, vector<512x128xf32>
    %jit3A_212 = arith.constant 1 : i32
    %broadcast_in_dim3A_213 = vector.broadcast %jit3A_212 : i32 to vector<512x128xi32>
    %select_n3A_214 = arith.select %lt3A_210, %broadcast_in_dim3A_213, %broadcast_in_dim3A_209 : vector<512x128xi1>, vector<512x128xi32>
    %lt3A_215 = arith.cmpf olt, %slice3A_179, %select_n3A_211 : vector<512x128xf32>
    %select_n3A_216 = arith.select %lt3A_215, %slice3A_179, %select_n3A_211 : vector<512x128xi1>, vector<512x128xf32>
    %jit3A_217 = arith.constant 2 : i32
    %broadcast_in_dim3A_218 = vector.broadcast %jit3A_217 : i32 to vector<512x128xi32>
    %select_n3A_219 = arith.select %lt3A_215, %broadcast_in_dim3A_218, %select_n3A_214 : vector<512x128xi1>, vector<512x128xi32>
    %lt3A_220 = arith.cmpf olt, %slice3A_180, %select_n3A_216 : vector<512x128xf32>
    %select_n3A_221 = arith.select %lt3A_220, %slice3A_180, %select_n3A_216 : vector<512x128xi1>, vector<512x128xf32>
    %jit3A_222 = arith.constant 3 : i32
    %broadcast_in_dim3A_223 = vector.broadcast %jit3A_222 : i32 to vector<512x128xi32>
    %select_n3A_224 = arith.select %lt3A_220, %broadcast_in_dim3A_223, %select_n3A_219 : vector<512x128xi1>, vector<512x128xi32>
    %lt3A_225 = arith.cmpf olt, %slice3A_181, %select_n3A_221 : vector<512x128xf32>
    %select_n3A_226 = arith.select %lt3A_225, %slice3A_181, %select_n3A_221 : vector<512x128xi1>, vector<512x128xf32>
    %jit3A_227 = arith.constant 4 : i32
    %broadcast_in_dim3A_228 = vector.broadcast %jit3A_227 : i32 to vector<512x128xi32>
    %select_n3A_229 = arith.select %lt3A_225, %broadcast_in_dim3A_228, %select_n3A_224 : vector<512x128xi1>, vector<512x128xi32>
    %lt3A_230 = arith.cmpf olt, %slice3A_182, %select_n3A_226 : vector<512x128xf32>
    %select_n3A_231 = arith.select %lt3A_230, %slice3A_182, %select_n3A_226 : vector<512x128xi1>, vector<512x128xf32>
    %jit3A_232 = arith.constant 5 : i32
    %broadcast_in_dim3A_233 = vector.broadcast %jit3A_232 : i32 to vector<512x128xi32>
    %select_n3A_234 = arith.select %lt3A_230, %broadcast_in_dim3A_233, %select_n3A_229 : vector<512x128xi1>, vector<512x128xi32>
    %lt3A_235 = arith.cmpf olt, %slice3A_183, %select_n3A_231 : vector<512x128xf32>
    %select_n3A_236 = arith.select %lt3A_235, %slice3A_183, %select_n3A_231 : vector<512x128xi1>, vector<512x128xf32>
    %jit3A_237 = arith.constant 6 : i32
    %broadcast_in_dim3A_238 = vector.broadcast %jit3A_237 : i32 to vector<512x128xi32>
    %select_n3A_239 = arith.select %lt3A_235, %broadcast_in_dim3A_238, %select_n3A_234 : vector<512x128xi1>, vector<512x128xi32>
    %lt3A_240 = arith.cmpf olt, %slice3A_184, %select_n3A_236 : vector<512x128xf32>
    %select_n3A_241 = arith.select %lt3A_240, %slice3A_184, %select_n3A_236 : vector<512x128xi1>, vector<512x128xf32>
    %jit3A_242 = arith.constant 7 : i32
    %broadcast_in_dim3A_243 = vector.broadcast %jit3A_242 : i32 to vector<512x128xi32>
    %select_n3A_244 = arith.select %lt3A_240, %broadcast_in_dim3A_243, %select_n3A_239 : vector<512x128xi1>, vector<512x128xi32>
    %lt3A_245 = arith.cmpf olt, %slice3A_185, %select_n3A_241 : vector<512x128xf32>
    %select_n3A_246 = arith.select %lt3A_245, %slice3A_185, %select_n3A_241 : vector<512x128xi1>, vector<512x128xf32>
    %jit3A_247 = arith.constant 8 : i32
    %broadcast_in_dim3A_248 = vector.broadcast %jit3A_247 : i32 to vector<512x128xi32>
    %select_n3A_249 = arith.select %lt3A_245, %broadcast_in_dim3A_248, %select_n3A_244 : vector<512x128xi1>, vector<512x128xi32>
    %lt3A_250 = arith.cmpf olt, %slice3A_186, %select_n3A_246 : vector<512x128xf32>
    %select_n3A_251 = arith.select %lt3A_250, %slice3A_186, %select_n3A_246 : vector<512x128xi1>, vector<512x128xf32>
    %jit3A_252 = arith.constant 9 : i32
    %broadcast_in_dim3A_253 = vector.broadcast %jit3A_252 : i32 to vector<512x128xi32>
    %select_n3A_254 = arith.select %lt3A_250, %broadcast_in_dim3A_253, %select_n3A_249 : vector<512x128xi1>, vector<512x128xi32>
    %lt3A_255 = arith.cmpf olt, %slice3A_187, %select_n3A_251 : vector<512x128xf32>
    %select_n3A_256 = arith.select %lt3A_255, %slice3A_187, %select_n3A_251 : vector<512x128xi1>, vector<512x128xf32>
    %jit3A_257 = arith.constant 10 : i32
    %broadcast_in_dim3A_258 = vector.broadcast %jit3A_257 : i32 to vector<512x128xi32>
    %select_n3A_259 = arith.select %lt3A_255, %broadcast_in_dim3A_258, %select_n3A_254 : vector<512x128xi1>, vector<512x128xi32>
    %lt3A_260 = arith.cmpf olt, %slice3A_188, %select_n3A_256 : vector<512x128xf32>
    %select_n3A_261 = arith.select %lt3A_260, %slice3A_188, %select_n3A_256 : vector<512x128xi1>, vector<512x128xf32>
    %jit3A_262 = arith.constant 11 : i32
    %broadcast_in_dim3A_263 = vector.broadcast %jit3A_262 : i32 to vector<512x128xi32>
    %select_n3A_264 = arith.select %lt3A_260, %broadcast_in_dim3A_263, %select_n3A_259 : vector<512x128xi1>, vector<512x128xi32>
    %lt3A_265 = arith.cmpf olt, %slice3A_189, %select_n3A_261 : vector<512x128xf32>
    %select_n3A_266 = arith.select %lt3A_265, %slice3A_189, %select_n3A_261 : vector<512x128xi1>, vector<512x128xf32>
    %jit3A_267 = arith.constant 12 : i32
    %broadcast_in_dim3A_268 = vector.broadcast %jit3A_267 : i32 to vector<512x128xi32>
    %select_n3A_269 = arith.select %lt3A_265, %broadcast_in_dim3A_268, %select_n3A_264 : vector<512x128xi1>, vector<512x128xi32>
    %lt3A_270 = arith.cmpf olt, %slice3A_190, %select_n3A_266 : vector<512x128xf32>
    %select_n3A_271 = arith.select %lt3A_270, %slice3A_190, %select_n3A_266 : vector<512x128xi1>, vector<512x128xf32>
    %jit3A_272 = arith.constant 13 : i32
    %broadcast_in_dim3A_273 = vector.broadcast %jit3A_272 : i32 to vector<512x128xi32>
    %select_n3A_274 = arith.select %lt3A_270, %broadcast_in_dim3A_273, %select_n3A_269 : vector<512x128xi1>, vector<512x128xi32>
    %lt3A_275 = arith.cmpf olt, %slice3A_191, %select_n3A_271 : vector<512x128xf32>
    %select_n3A_276 = arith.select %lt3A_275, %slice3A_191, %select_n3A_271 : vector<512x128xi1>, vector<512x128xf32>
    %jit3A_277 = arith.constant 14 : i32
    %broadcast_in_dim3A_278 = vector.broadcast %jit3A_277 : i32 to vector<512x128xi32>
    %select_n3A_279 = arith.select %lt3A_275, %broadcast_in_dim3A_278, %select_n3A_274 : vector<512x128xi1>, vector<512x128xi32>
    %lt3A_280 = arith.cmpf olt, %slice3A_192, %select_n3A_276 : vector<512x128xf32>
    %select_n3A_281 = arith.select %lt3A_280, %slice3A_192, %select_n3A_276 : vector<512x128xi1>, vector<512x128xf32>
    %jit3A_282 = arith.constant 15 : i32
    %broadcast_in_dim3A_283 = vector.broadcast %jit3A_282 : i32 to vector<512x128xi32>
    %select_n3A_284 = arith.select %lt3A_280, %broadcast_in_dim3A_283, %select_n3A_279 : vector<512x128xi1>, vector<512x128xi32>
    %lt3A_285 = arith.cmpf olt, %slice3A_193, %select_n3A_281 : vector<512x128xf32>
    %select_n3A_286 = arith.select %lt3A_285, %slice3A_193, %select_n3A_281 : vector<512x128xi1>, vector<512x128xf32>
    %jit3A_287 = arith.constant 16 : i32
    %broadcast_in_dim3A_288 = vector.broadcast %jit3A_287 : i32 to vector<512x128xi32>
    %select_n3A_289 = arith.select %lt3A_285, %broadcast_in_dim3A_288, %select_n3A_284 : vector<512x128xi1>, vector<512x128xi32>
    %lt3A_290 = arith.cmpf olt, %slice3A_194, %select_n3A_286 : vector<512x128xf32>
    %select_n3A_291 = arith.select %lt3A_290, %slice3A_194, %select_n3A_286 : vector<512x128xi1>, vector<512x128xf32>
    %jit3A_292 = arith.constant 17 : i32
    %broadcast_in_dim3A_293 = vector.broadcast %jit3A_292 : i32 to vector<512x128xi32>
    %select_n3A_294 = arith.select %lt3A_290, %broadcast_in_dim3A_293, %select_n3A_289 : vector<512x128xi1>, vector<512x128xi32>
    %lt3A_295 = arith.cmpf olt, %slice3A_195, %select_n3A_291 : vector<512x128xf32>
    %select_n3A_296 = arith.select %lt3A_295, %slice3A_195, %select_n3A_291 : vector<512x128xi1>, vector<512x128xf32>
    %jit3A_297 = arith.constant 18 : i32
    %broadcast_in_dim3A_298 = vector.broadcast %jit3A_297 : i32 to vector<512x128xi32>
    %select_n3A_299 = arith.select %lt3A_295, %broadcast_in_dim3A_298, %select_n3A_294 : vector<512x128xi1>, vector<512x128xi32>
    %lt3A_300 = arith.cmpf olt, %slice3A_196, %select_n3A_296 : vector<512x128xf32>
    %select_n3A_301 = arith.select %lt3A_300, %slice3A_196, %select_n3A_296 : vector<512x128xi1>, vector<512x128xf32>
    %jit3A_302 = arith.constant 19 : i32
    %broadcast_in_dim3A_303 = vector.broadcast %jit3A_302 : i32 to vector<512x128xi32>
    %select_n3A_304 = arith.select %lt3A_300, %broadcast_in_dim3A_303, %select_n3A_299 : vector<512x128xi1>, vector<512x128xi32>
    %lt3A_305 = arith.cmpf olt, %slice3A_197, %select_n3A_301 : vector<512x128xf32>
    %select_n3A_306 = arith.select %lt3A_305, %slice3A_197, %select_n3A_301 : vector<512x128xi1>, vector<512x128xf32>
    %jit3A_307 = arith.constant 20 : i32
    %broadcast_in_dim3A_308 = vector.broadcast %jit3A_307 : i32 to vector<512x128xi32>
    %select_n3A_309 = arith.select %lt3A_305, %broadcast_in_dim3A_308, %select_n3A_304 : vector<512x128xi1>, vector<512x128xi32>
    %lt3A_310 = arith.cmpf olt, %select_n3A_207, %select_n3A_306 : vector<512x128xf32>
    %select_n3A_311 = arith.select %lt3A_310, %select_n3A_207, %select_n3A_306 : vector<512x128xi1>, vector<512x128xf32>
    %jit3A_312 = arith.constant 21 : i32
    %broadcast_in_dim3A_313 = vector.broadcast %jit3A_312 : i32 to vector<512x128xi32>
    %select_n3A_314 = arith.select %lt3A_310, %broadcast_in_dim3A_313, %select_n3A_309 : vector<512x128xi1>, vector<512x128xi32>
    %reduce_min3A_315 = arith.constant dense<0x7F800000> : vector<512xf32>
    %reduce_min3A_316 = vector.multi_reduction <minimumf>, %select_n3A_311, %reduce_min3A_315 [1] : vector<512x128xf32> to vector<512xf32>
    %broadcast_in_dim3A_317 = vector.shape_cast %reduce_min3A_316 : vector<512xf32> to vector<512x1xf32>
    %eq3A_318 = vector.broadcast %broadcast_in_dim3A_317 : vector<512x1xf32> to vector<512x128xf32>
    %eq3A_319 = arith.cmpf oeq, %select_n3A_311, %eq3A_318 : vector<512x128xf32>
    %mul3A_320 = arith.constant 128 : i32
    %mul3A_321 = vector.broadcast %mul3A_320 : i32 to vector<512x128xi32>
    %mul3A_322 = arith.muli %select_n3A_314, %mul3A_321 : vector<512x128xi32>
    %add3A_323 = arith.addi %mul3A_322, %iota3A : vector<512x128xi32>
    %jit3A_324 = arith.constant 268435456 : i32
    %broadcast_in_dim3A_325 = vector.broadcast %jit3A_324 : i32 to vector<512x128xi32>
    %select_n3A_326 = arith.select %eq3A_319, %add3A_323, %broadcast_in_dim3A_325 : vector<512x128xi1>, vector<512x128xi32>
    %reduce_min3A_327 = arith.constant dense<2147483647> : vector<512xi32>
    %reduce_min3A_328 = vector.multi_reduction <minsi>, %select_n3A_326, %reduce_min3A_327 [1] : vector<512x128xi32> to vector<512xi32>
    %add3A_329 = arith.constant 2704 : i32
    %add3A_330 = vector.broadcast %add3A_329 : i32 to vector<512xi32>
    %add3A_331 = arith.addi %add3A_330, %reduce_min3A_328 : vector<512xi32>
    %lt3A_332 = arith.cmpf olt, %reduce_min3A_316, %convert_element_type3A_168 : vector<512xf32>
    %select_n3A_333 = arith.select %lt3A_332, %add3A_331, %select_n3A_165 : vector<512xi1>, vector<512xi32>
    %select_n3A_334 = arith.select %lt3A_332, %reduce_min3A_316, %convert_element_type3A_168 : vector<512xi1>, vector<512xf32>
    %convert_element_type3A_335 = arith.truncf %select_n3A_334 : vector<512xf32> to vector<512xbf16>
    %convert_element_type3A_336 = arith.extf %convert_element_type3A_335 : vector<512xbf16> to vector<512xf32>
    %get3A_337 = arith.constant 5632 : index
    %get3A_338 = arith.constant 0 : index
    %get3A_339 = vector.load %arg2[%get3A_337, %get3A_338] : memref<8448x256xbf16, #tpu.memory_space<vmem>>, vector<2816x256xbf16>
    %dot_general3A_340 = arith.constant dense<0.000000e+00> : vector<512x2816xf32>
    %dot_general3A_341 = tpu.matmul %convert_element_type3A, %get3A_339, %dot_general3A_340 {dimension_numbers = #tpu.dot_dimension_numbers<[1], [1], [0], [0], [0, 0, 1, 0], [], []>, transpose_lhs_hint = false} : vector<512x256xbf16>, vector<2816x256xbf16>, vector<512x2816xf32> -> vector<512x2816xf32>
    %add3A_342 = arith.constant 2.000000e+00 : f32
    %add3A_343 = vector.broadcast %add3A_342 : f32 to vector<512x2816xf32>
    %add3A_344 = arith.addf %add3A_343, %dot_general3A_341 : vector<512x2816xf32>
    %slice3A_345 = vector.extract_strided_slice %add3A_344 {offsets = [0, 0], sizes = [512, 128], strides = [1, 1]} : vector<512x2816xf32> to vector<512x128xf32>
    %slice3A_346 = vector.extract_strided_slice %add3A_344 {offsets = [0, 128], sizes = [512, 128], strides = [1, 1]} : vector<512x2816xf32> to vector<512x128xf32>
    %slice3A_347 = vector.extract_strided_slice %add3A_344 {offsets = [0, 256], sizes = [512, 128], strides = [1, 1]} : vector<512x2816xf32> to vector<512x128xf32>
    %slice3A_348 = vector.extract_strided_slice %add3A_344 {offsets = [0, 384], sizes = [512, 128], strides = [1, 1]} : vector<512x2816xf32> to vector<512x128xf32>
    %slice3A_349 = vector.extract_strided_slice %add3A_344 {offsets = [0, 512], sizes = [512, 128], strides = [1, 1]} : vector<512x2816xf32> to vector<512x128xf32>
    %slice3A_350 = vector.extract_strided_slice %add3A_344 {offsets = [0, 640], sizes = [512, 128], strides = [1, 1]} : vector<512x2816xf32> to vector<512x128xf32>
    %slice3A_351 = vector.extract_strided_slice %add3A_344 {offsets = [0, 768], sizes = [512, 128], strides = [1, 1]} : vector<512x2816xf32> to vector<512x128xf32>
    %slice3A_352 = vector.extract_strided_slice %add3A_344 {offsets = [0, 896], sizes = [512, 128], strides = [1, 1]} : vector<512x2816xf32> to vector<512x128xf32>
    %slice3A_353 = vector.extract_strided_slice %add3A_344 {offsets = [0, 1024], sizes = [512, 128], strides = [1, 1]} : vector<512x2816xf32> to vector<512x128xf32>
    %slice3A_354 = vector.extract_strided_slice %add3A_344 {offsets = [0, 1152], sizes = [512, 128], strides = [1, 1]} : vector<512x2816xf32> to vector<512x128xf32>
    %slice3A_355 = vector.extract_strided_slice %add3A_344 {offsets = [0, 1280], sizes = [512, 128], strides = [1, 1]} : vector<512x2816xf32> to vector<512x128xf32>
    %slice3A_356 = vector.extract_strided_slice %add3A_344 {offsets = [0, 1408], sizes = [512, 128], strides = [1, 1]} : vector<512x2816xf32> to vector<512x128xf32>
    %slice3A_357 = vector.extract_strided_slice %add3A_344 {offsets = [0, 1536], sizes = [512, 128], strides = [1, 1]} : vector<512x2816xf32> to vector<512x128xf32>
    %slice3A_358 = vector.extract_strided_slice %add3A_344 {offsets = [0, 1664], sizes = [512, 128], strides = [1, 1]} : vector<512x2816xf32> to vector<512x128xf32>
    %slice3A_359 = vector.extract_strided_slice %add3A_344 {offsets = [0, 1792], sizes = [512, 128], strides = [1, 1]} : vector<512x2816xf32> to vector<512x128xf32>
    %slice3A_360 = vector.extract_strided_slice %add3A_344 {offsets = [0, 1920], sizes = [512, 128], strides = [1, 1]} : vector<512x2816xf32> to vector<512x128xf32>
    %slice3A_361 = vector.extract_strided_slice %add3A_344 {offsets = [0, 2048], sizes = [512, 128], strides = [1, 1]} : vector<512x2816xf32> to vector<512x128xf32>
    %slice3A_362 = vector.extract_strided_slice %add3A_344 {offsets = [0, 2176], sizes = [512, 128], strides = [1, 1]} : vector<512x2816xf32> to vector<512x128xf32>
    %slice3A_363 = vector.extract_strided_slice %add3A_344 {offsets = [0, 2304], sizes = [512, 128], strides = [1, 1]} : vector<512x2816xf32> to vector<512x128xf32>
    %slice3A_364 = vector.extract_strided_slice %add3A_344 {offsets = [0, 2432], sizes = [512, 128], strides = [1, 1]} : vector<512x2816xf32> to vector<512x128xf32>
    %slice3A_365 = vector.extract_strided_slice %add3A_344 {offsets = [0, 2560], sizes = [512, 128], strides = [1, 1]} : vector<512x2816xf32> to vector<512x128xf32>
    %slice3A_366 = vector.extract_strided_slice %add3A_344 {offsets = [0, 2688], sizes = [512, 128], strides = [1, 1]} : vector<512x2816xf32> to vector<512x128xf32>
    %add3A_367 = arith.constant 2688 : i32
    %add3A_368 = vector.broadcast %add3A_367 : i32 to vector<512x128xi32>
    %add3A_369 = arith.addi %add3A_368, %iota3A : vector<512x128xi32>
    %ge3A_370 = arith.constant 2692 : i32
    %ge3A_371 = vector.broadcast %ge3A_370 : i32 to vector<512x128xi32>
    %ge3A_372 = arith.cmpi sge, %add3A_369, %ge3A_371 : vector<512x128xi32>
    %jit3A_373 = arith.constant 0x7F800000 : f32
    %broadcast_in_dim3A_374 = vector.broadcast %jit3A_373 : f32 to vector<512x128xf32>
    %select_n3A_375 = arith.select %ge3A_372, %broadcast_in_dim3A_374, %slice3A_366 : vector<512x128xi1>, vector<512x128xf32>
    %broadcast_in_dim3A_376 = arith.constant 0 : i32
    %broadcast_in_dim3A_377 = vector.broadcast %broadcast_in_dim3A_376 : i32 to vector<512x128xi32>
    %lt3A_378 = arith.cmpf olt, %slice3A_346, %slice3A_345 : vector<512x128xf32>
    %select_n3A_379 = arith.select %lt3A_378, %slice3A_346, %slice3A_345 : vector<512x128xi1>, vector<512x128xf32>
    %jit3A_380 = arith.constant 1 : i32
    %broadcast_in_dim3A_381 = vector.broadcast %jit3A_380 : i32 to vector<512x128xi32>
    %select_n3A_382 = arith.select %lt3A_378, %broadcast_in_dim3A_381, %broadcast_in_dim3A_377 : vector<512x128xi1>, vector<512x128xi32>
    %lt3A_383 = arith.cmpf olt, %slice3A_347, %select_n3A_379 : vector<512x128xf32>
    %select_n3A_384 = arith.select %lt3A_383, %slice3A_347, %select_n3A_379 : vector<512x128xi1>, vector<512x128xf32>
    %jit3A_385 = arith.constant 2 : i32
    %broadcast_in_dim3A_386 = vector.broadcast %jit3A_385 : i32 to vector<512x128xi32>
    %select_n3A_387 = arith.select %lt3A_383, %broadcast_in_dim3A_386, %select_n3A_382 : vector<512x128xi1>, vector<512x128xi32>
    %lt3A_388 = arith.cmpf olt, %slice3A_348, %select_n3A_384 : vector<512x128xf32>
    %select_n3A_389 = arith.select %lt3A_388, %slice3A_348, %select_n3A_384 : vector<512x128xi1>, vector<512x128xf32>
    %jit3A_390 = arith.constant 3 : i32
    %broadcast_in_dim3A_391 = vector.broadcast %jit3A_390 : i32 to vector<512x128xi32>
    %select_n3A_392 = arith.select %lt3A_388, %broadcast_in_dim3A_391, %select_n3A_387 : vector<512x128xi1>, vector<512x128xi32>
    %lt3A_393 = arith.cmpf olt, %slice3A_349, %select_n3A_389 : vector<512x128xf32>
    %select_n3A_394 = arith.select %lt3A_393, %slice3A_349, %select_n3A_389 : vector<512x128xi1>, vector<512x128xf32>
    %jit3A_395 = arith.constant 4 : i32
    %broadcast_in_dim3A_396 = vector.broadcast %jit3A_395 : i32 to vector<512x128xi32>
    %select_n3A_397 = arith.select %lt3A_393, %broadcast_in_dim3A_396, %select_n3A_392 : vector<512x128xi1>, vector<512x128xi32>
    %lt3A_398 = arith.cmpf olt, %slice3A_350, %select_n3A_394 : vector<512x128xf32>
    %select_n3A_399 = arith.select %lt3A_398, %slice3A_350, %select_n3A_394 : vector<512x128xi1>, vector<512x128xf32>
    %jit3A_400 = arith.constant 5 : i32
    %broadcast_in_dim3A_401 = vector.broadcast %jit3A_400 : i32 to vector<512x128xi32>
    %select_n3A_402 = arith.select %lt3A_398, %broadcast_in_dim3A_401, %select_n3A_397 : vector<512x128xi1>, vector<512x128xi32>
    %lt3A_403 = arith.cmpf olt, %slice3A_351, %select_n3A_399 : vector<512x128xf32>
    %select_n3A_404 = arith.select %lt3A_403, %slice3A_351, %select_n3A_399 : vector<512x128xi1>, vector<512x128xf32>
    %jit3A_405 = arith.constant 6 : i32
    %broadcast_in_dim3A_406 = vector.broadcast %jit3A_405 : i32 to vector<512x128xi32>
    %select_n3A_407 = arith.select %lt3A_403, %broadcast_in_dim3A_406, %select_n3A_402 : vector<512x128xi1>, vector<512x128xi32>
    %lt3A_408 = arith.cmpf olt, %slice3A_352, %select_n3A_404 : vector<512x128xf32>
    %select_n3A_409 = arith.select %lt3A_408, %slice3A_352, %select_n3A_404 : vector<512x128xi1>, vector<512x128xf32>
    %jit3A_410 = arith.constant 7 : i32
    %broadcast_in_dim3A_411 = vector.broadcast %jit3A_410 : i32 to vector<512x128xi32>
    %select_n3A_412 = arith.select %lt3A_408, %broadcast_in_dim3A_411, %select_n3A_407 : vector<512x128xi1>, vector<512x128xi32>
    %lt3A_413 = arith.cmpf olt, %slice3A_353, %select_n3A_409 : vector<512x128xf32>
    %select_n3A_414 = arith.select %lt3A_413, %slice3A_353, %select_n3A_409 : vector<512x128xi1>, vector<512x128xf32>
    %jit3A_415 = arith.constant 8 : i32
    %broadcast_in_dim3A_416 = vector.broadcast %jit3A_415 : i32 to vector<512x128xi32>
    %select_n3A_417 = arith.select %lt3A_413, %broadcast_in_dim3A_416, %select_n3A_412 : vector<512x128xi1>, vector<512x128xi32>
    %lt3A_418 = arith.cmpf olt, %slice3A_354, %select_n3A_414 : vector<512x128xf32>
    %select_n3A_419 = arith.select %lt3A_418, %slice3A_354, %select_n3A_414 : vector<512x128xi1>, vector<512x128xf32>
    %jit3A_420 = arith.constant 9 : i32
    %broadcast_in_dim3A_421 = vector.broadcast %jit3A_420 : i32 to vector<512x128xi32>
    %select_n3A_422 = arith.select %lt3A_418, %broadcast_in_dim3A_421, %select_n3A_417 : vector<512x128xi1>, vector<512x128xi32>
    %lt3A_423 = arith.cmpf olt, %slice3A_355, %select_n3A_419 : vector<512x128xf32>
    %select_n3A_424 = arith.select %lt3A_423, %slice3A_355, %select_n3A_419 : vector<512x128xi1>, vector<512x128xf32>
    %jit3A_425 = arith.constant 10 : i32
    %broadcast_in_dim3A_426 = vector.broadcast %jit3A_425 : i32 to vector<512x128xi32>
    %select_n3A_427 = arith.select %lt3A_423, %broadcast_in_dim3A_426, %select_n3A_422 : vector<512x128xi1>, vector<512x128xi32>
    %lt3A_428 = arith.cmpf olt, %slice3A_356, %select_n3A_424 : vector<512x128xf32>
    %select_n3A_429 = arith.select %lt3A_428, %slice3A_356, %select_n3A_424 : vector<512x128xi1>, vector<512x128xf32>
    %jit3A_430 = arith.constant 11 : i32
    %broadcast_in_dim3A_431 = vector.broadcast %jit3A_430 : i32 to vector<512x128xi32>
    %select_n3A_432 = arith.select %lt3A_428, %broadcast_in_dim3A_431, %select_n3A_427 : vector<512x128xi1>, vector<512x128xi32>
    %lt3A_433 = arith.cmpf olt, %slice3A_357, %select_n3A_429 : vector<512x128xf32>
    %select_n3A_434 = arith.select %lt3A_433, %slice3A_357, %select_n3A_429 : vector<512x128xi1>, vector<512x128xf32>
    %jit3A_435 = arith.constant 12 : i32
    %broadcast_in_dim3A_436 = vector.broadcast %jit3A_435 : i32 to vector<512x128xi32>
    %select_n3A_437 = arith.select %lt3A_433, %broadcast_in_dim3A_436, %select_n3A_432 : vector<512x128xi1>, vector<512x128xi32>
    %lt3A_438 = arith.cmpf olt, %slice3A_358, %select_n3A_434 : vector<512x128xf32>
    %select_n3A_439 = arith.select %lt3A_438, %slice3A_358, %select_n3A_434 : vector<512x128xi1>, vector<512x128xf32>
    %jit3A_440 = arith.constant 13 : i32
    %broadcast_in_dim3A_441 = vector.broadcast %jit3A_440 : i32 to vector<512x128xi32>
    %select_n3A_442 = arith.select %lt3A_438, %broadcast_in_dim3A_441, %select_n3A_437 : vector<512x128xi1>, vector<512x128xi32>
    %lt3A_443 = arith.cmpf olt, %slice3A_359, %select_n3A_439 : vector<512x128xf32>
    %select_n3A_444 = arith.select %lt3A_443, %slice3A_359, %select_n3A_439 : vector<512x128xi1>, vector<512x128xf32>
    %jit3A_445 = arith.constant 14 : i32
    %broadcast_in_dim3A_446 = vector.broadcast %jit3A_445 : i32 to vector<512x128xi32>
    %select_n3A_447 = arith.select %lt3A_443, %broadcast_in_dim3A_446, %select_n3A_442 : vector<512x128xi1>, vector<512x128xi32>
    %lt3A_448 = arith.cmpf olt, %slice3A_360, %select_n3A_444 : vector<512x128xf32>
    %select_n3A_449 = arith.select %lt3A_448, %slice3A_360, %select_n3A_444 : vector<512x128xi1>, vector<512x128xf32>
    %jit3A_450 = arith.constant 15 : i32
    %broadcast_in_dim3A_451 = vector.broadcast %jit3A_450 : i32 to vector<512x128xi32>
    %select_n3A_452 = arith.select %lt3A_448, %broadcast_in_dim3A_451, %select_n3A_447 : vector<512x128xi1>, vector<512x128xi32>
    %lt3A_453 = arith.cmpf olt, %slice3A_361, %select_n3A_449 : vector<512x128xf32>
    %select_n3A_454 = arith.select %lt3A_453, %slice3A_361, %select_n3A_449 : vector<512x128xi1>, vector<512x128xf32>
    %jit3A_455 = arith.constant 16 : i32
    %broadcast_in_dim3A_456 = vector.broadcast %jit3A_455 : i32 to vector<512x128xi32>
    %select_n3A_457 = arith.select %lt3A_453, %broadcast_in_dim3A_456, %select_n3A_452 : vector<512x128xi1>, vector<512x128xi32>
    %lt3A_458 = arith.cmpf olt, %slice3A_362, %select_n3A_454 : vector<512x128xf32>
    %select_n3A_459 = arith.select %lt3A_458, %slice3A_362, %select_n3A_454 : vector<512x128xi1>, vector<512x128xf32>
    %jit3A_460 = arith.constant 17 : i32
    %broadcast_in_dim3A_461 = vector.broadcast %jit3A_460 : i32 to vector<512x128xi32>
    %select_n3A_462 = arith.select %lt3A_458, %broadcast_in_dim3A_461, %select_n3A_457 : vector<512x128xi1>, vector<512x128xi32>
    %lt3A_463 = arith.cmpf olt, %slice3A_363, %select_n3A_459 : vector<512x128xf32>
    %select_n3A_464 = arith.select %lt3A_463, %slice3A_363, %select_n3A_459 : vector<512x128xi1>, vector<512x128xf32>
    %jit3A_465 = arith.constant 18 : i32
    %broadcast_in_dim3A_466 = vector.broadcast %jit3A_465 : i32 to vector<512x128xi32>
    %select_n3A_467 = arith.select %lt3A_463, %broadcast_in_dim3A_466, %select_n3A_462 : vector<512x128xi1>, vector<512x128xi32>
    %lt3A_468 = arith.cmpf olt, %slice3A_364, %select_n3A_464 : vector<512x128xf32>
    %select_n3A_469 = arith.select %lt3A_468, %slice3A_364, %select_n3A_464 : vector<512x128xi1>, vector<512x128xf32>
    %jit3A_470 = arith.constant 19 : i32
    %broadcast_in_dim3A_471 = vector.broadcast %jit3A_470 : i32 to vector<512x128xi32>
    %select_n3A_472 = arith.select %lt3A_468, %broadcast_in_dim3A_471, %select_n3A_467 : vector<512x128xi1>, vector<512x128xi32>
    %lt3A_473 = arith.cmpf olt, %slice3A_365, %select_n3A_469 : vector<512x128xf32>
    %select_n3A_474 = arith.select %lt3A_473, %slice3A_365, %select_n3A_469 : vector<512x128xi1>, vector<512x128xf32>
    %jit3A_475 = arith.constant 20 : i32
    %broadcast_in_dim3A_476 = vector.broadcast %jit3A_475 : i32 to vector<512x128xi32>
    %select_n3A_477 = arith.select %lt3A_473, %broadcast_in_dim3A_476, %select_n3A_472 : vector<512x128xi1>, vector<512x128xi32>
    %lt3A_478 = arith.cmpf olt, %select_n3A_375, %select_n3A_474 : vector<512x128xf32>
    %select_n3A_479 = arith.select %lt3A_478, %select_n3A_375, %select_n3A_474 : vector<512x128xi1>, vector<512x128xf32>
    %jit3A_480 = arith.constant 21 : i32
    %broadcast_in_dim3A_481 = vector.broadcast %jit3A_480 : i32 to vector<512x128xi32>
    %select_n3A_482 = arith.select %lt3A_478, %broadcast_in_dim3A_481, %select_n3A_477 : vector<512x128xi1>, vector<512x128xi32>
    %reduce_min3A_483 = arith.constant dense<0x7F800000> : vector<512xf32>
    %reduce_min3A_484 = vector.multi_reduction <minimumf>, %select_n3A_479, %reduce_min3A_483 [1] : vector<512x128xf32> to vector<512xf32>
    %broadcast_in_dim3A_485 = vector.shape_cast %reduce_min3A_484 : vector<512xf32> to vector<512x1xf32>
    %eq3A_486 = vector.broadcast %broadcast_in_dim3A_485 : vector<512x1xf32> to vector<512x128xf32>
    %eq3A_487 = arith.cmpf oeq, %select_n3A_479, %eq3A_486 : vector<512x128xf32>
    %mul3A_488 = arith.constant 128 : i32
    %mul3A_489 = vector.broadcast %mul3A_488 : i32 to vector<512x128xi32>
    %mul3A_490 = arith.muli %select_n3A_482, %mul3A_489 : vector<512x128xi32>
    %add3A_491 = arith.addi %mul3A_490, %iota3A : vector<512x128xi32>
    %jit3A_492 = arith.constant 268435456 : i32
    %broadcast_in_dim3A_493 = vector.broadcast %jit3A_492 : i32 to vector<512x128xi32>
    %select_n3A_494 = arith.select %eq3A_487, %add3A_491, %broadcast_in_dim3A_493 : vector<512x128xi1>, vector<512x128xi32>
    %reduce_min3A_495 = arith.constant dense<2147483647> : vector<512xi32>
    %reduce_min3A_496 = vector.multi_reduction <minsi>, %select_n3A_494, %reduce_min3A_495 [1] : vector<512x128xi32> to vector<512xi32>
    %add3A_497 = arith.constant 5408 : i32
    %add3A_498 = vector.broadcast %add3A_497 : i32 to vector<512xi32>
    %add3A_499 = arith.addi %add3A_498, %reduce_min3A_496 : vector<512xi32>
    %lt3A_500 = arith.cmpf olt, %reduce_min3A_484, %convert_element_type3A_336 : vector<512xf32>
    %select_n3A_501 = arith.select %lt3A_500, %add3A_499, %select_n3A_333 : vector<512xi1>, vector<512xi32>
    %swap3A = arith.constant 0 : index
    %swap3A_502 = arith.constant 0 : index
    %swap3A_503 = arith.constant 0 : index
    %swap3A_504 = vector.load %arg3[%swap3A, %swap3A_502, %swap3A_503] : memref<1x1x512xi32, #tpu.memory_space<vmem>>, vector<1x1x512xi32>
    %swap3A_505 = vector.shape_cast %swap3A_504 : vector<1x1x512xi32> to vector<512xi32>
    %swap3A_506 = vector.shape_cast %select_n3A_501 : vector<512xi32> to vector<1x1x512xi32>
    tpu.vector_store %arg3[%swap3A, %swap3A_502, %swap3A_503], %swap3A_506 {strides = array<i32>} : memref<1x1x512xi32, #tpu.memory_space<vmem>>, vector<1x1x512xi32>,
    return
  }
  func.func @transform_0(%arg0: i32) -> (i32, i32) {
    %c0_i32 = arith.constant 0 : i32
    %c0_i32_0 = arith.constant 0 : i32
    return %arg0, %c0_i32 : i32, i32
  }
  func.func @transform_1(%arg0: i32) -> (i32, i32) {
    %c0_i32 = arith.constant 0 : i32
    %c0_i32_0 = arith.constant 0 : i32
    %c0_i32_1 = arith.constant 0 : i32
    return %c0_i32, %c0_i32_0 : i32, i32
  }
  func.func @transform_2(%arg0: i32) -> (i32, i32, i32) {
    %c0_i32 = arith.constant 0 : i32
    %c0_i32_0 = arith.constant 0 : i32
    %c0_i32_1 = arith.constant 0 : i32
    return %arg0, %c0_i32, %c0_i32_0 : i32, i32, i32
  }
}

</mosaic_0001>

<sc_bundles>
// kernel: kernel.5.cloned.1.call-start
scs
__scs_entry_jumppad:
0x0: {  	(pc) =	sbr.rel $0x88, $3  }
0x1: {  	(tag) =	ssettag $0x0;
	lr =	simm.s32 $0x1  }
0x2: {  	[smem:$0x3F9F] =	sst lr;
	_ =	strace $0xD0000000  }
0x3: {  	_ = 	snop  }
0x4: {  	_ = 	snop  }
0x5: {  	_ = 	snop  }
0x6: {  	_ = 	snop  }
0x7: {  	_ = 	snop  }
__scs_overlays_trampoline_lowered:
0x8: {  	[smem:$0x3FAE] =	sst s0  }
0x9: {  	[smem:$0x3FAF] =	sst s1  }
0xa: {  	[smem:$0x3FB0] =	sst s2  }
0xb: {  	[smem:$0x3FB1] =	sst s3  }
0xc: {  	[smem:$0x3FB2] =	sst s4  }
0xd: {  	[smem:$0x3FB3] =	sst s5  }
0xe: {  	[smem:$0x3FB4] =	sst s6  }
0xf: {  	[smem:$0x3FB5] =	sst s7  }
0x10: {  	[smem:$0x3FB6] =	sst s8  }
0x11: {  	[smem:$0x3FB7] =	sst s9;
	s0 =	simm.s32 @!p0 $0x0  }
0x12: {  	s1 =	sld [smem:$0x3F9D];
	s0 =	simm.s32 @p0 $0x1  }
0x13: {  	[smem:$0x3FB8] =	sst s0;
	s0 =	simm.s32 @!p1 $0x0  }
0x14: {  	s2 =	sld [smem:$0x3F9C];
	s0 =	simm.s32 @p1 $0x1  }
0x15: {  	[smem:$0x3FB9] =	sst s0;
	s0 =	simm.s32 @!p2 $0x0  }
0x16: {  	s3 =	sld [smem:$0x3FDB];
	s0 =	simm.s32 @p2 $0x1  }
0x17: {  	s4 =	simm.s32 $0x1BF5;
	[smem:$0x3FBB] =	sst s0  }
0x18: {  	s0 =	sld [smem:$0x3F9E];
	_ =	swait.ge [sflag:s4], $0x0  }
0x19: {  	s7 =	sld [smem:$0x3F9F]  }
0x1a: {  	s8 =	sadd.s32 $0xFFFFE003, lr  }
0x1b: {  	s9 =	sadd.s32 $0xFFFFFEF7, lr;
	s5 =	simm.s32 $0xFFFFFFFF;
	p2 =	slt.u32 s8, $0xFFFFF086  }
0x1c: {  	p1 =	slt.u32 s9, $0xF7A;
	s5 =	simm.s32 @!p2 $0x0  }
0x1d: {  	s5 =	simm.s32 @p1 $0x1;
	p0 =	seq.s32 s7, s2  }
0x1e: {  	s7 =	smul.u32 @!p0 $0xF7A, s2;
	p2 =	seq.s32 @!p0 s5, $0x0  }
0x1f: {  	s9 =	smul.u32 $0xF7A, s1;
	s8 =	simm.s32 @!p0 $0x1BF5;
	p2 =	por !p2, p0  }
0x20: {  	[sflag:s8] =	ssyncset.s32 @!p0 $0xFFFFF086;
	s6 =	sadd.s32 @!p0 s3, s7;
	s7 =	simm.s32 @!p0 $0x108  }
0x21: {  	s3 =	sadd.s32 s3, s9;
	s6 =	sadd.s32 @!p0 $0x88, s6;
	s7 =	simm.s32 @p2 $0x1082  }
0x22: {  	[simem:s7], [sflag:s8] =	dma.local @!p0 [hbm:s6], $0xF7A  }
0x23: {  	s9 =	sor.u32 $0xD0000000, s2;
	s6 =	simm.s32 $0x108;
	_ =	swait.ge @!p0 [sflag:s8], $0x0  }
0x24: {  	s3 =	sadd.s32 $0x88, s3;
	s6 =	simm.s32 @!p1 $0x1082;
	[sflag:s4] =	ssyncset.s32 $0xFFFFF086  }
0x25: {  	[simem:s6], [sflag:s4] =	dma.local [hbm:s3], $0xF7A  }
0x26: {  	[smem:$0x3F9F] =	sst s1;
	(tag) =	ssettag s2;
	_ =	strace s9  }
0x27: {  	s1 =	sld [smem:$0x3FAF]  }
0x28: {  	s2 =	sld [smem:$0x3FB0]  }
0x29: {  	s4 =	sld [smem:$0x3FB2]  }
0x2a: {  	p0 =	seq.s32 s5, $0x0;
	s5 =	sld [smem:$0x3FB3]  }
0x2b: {  	s6 =	sld [smem:$0x3FB4]  }
0x2c: {  	s7 =	sld [smem:$0x3FB5]  }
0x2d: {  	s3 =	simm.s32 $0x108;
	s8 =	sld [smem:$0x3FB6]  }
0x2e: {  	s3 =	simm.s32 @!p0 $0x1082;
	s9 =	sld [smem:$0x3FB7]  }
0x2f: {  	lr =	sadd.s32 s0, s3;
	s0 =	sld [smem:$0x3FAE]  }
0x30: {  	s3 =	sld [smem:$0x3FB1]  }
0x31: {  	[smem:$0x3FBA] =	sst s10  }
0x32: {  	s10 =	sld [smem:$0x3FB8];
	_ =	sdelay $0x3  }
0x33: {  	p0 =	seq.s32 s10, $0x1;
	s10 =	sld [smem:$0x3FBA];
	_ =	sdelay $0x3  }
0x34: {  	[smem:$0x3FBA] =	sst s10  }
0x35: {  	s10 =	sld [smem:$0x3FB9];
	_ =	sdelay $0x3  }
0x36: {  	p1 =	seq.s32 s10, $0x1;
	s10 =	sld [smem:$0x3FBA];
	_ =	sdelay $0x3  }
0x37: {  	[smem:$0x3FBA] =	sst s10  }
0x38: {  	s10 =	sld [smem:$0x3FBB]  }
0x39: {  	_ = 	snop;
	(pc) =	sbr.ind lr, $3  }
0x3a: {  	_ = 	snop  }
0x3b: {  	_ = 	snop  }
0x3c: {  	p2 =	seq.s32 s10, $0x1;
	s10 =	sld [smem:$0x3FBA]  }
0x3d: {  	_ =	shalt  }
0x3e: {  	_ =	shalt  }
0x3f: {  	_ =	shalt  }
0x40: {  	_ =	shalt  }
0x41: {  	_ =	shalt  }
0x42: {  	_ =	shalt  }
0x43: {  	_ =	shalt  }
0x44: {  	_ =	shalt  }
0x45: {  	_ =	shalt  }
0x46: {  	_ =	shalt  }
0x47: {  	_ =	shalt  }
0x48: {  	_ =	shalt  }
0x49: {  	_ =	shalt  }
0x4a: {  	_ =	shalt  }
0x4b: {  	_ =	shalt  }
0x4c: {  	_ =	shalt  }
0x4d: {  	_ =	shalt  }
0x4e: {  	_ =	shalt  }
0x4f: {  	_ =	shalt  }
0x50: {  	_ =	shalt  }
0x51: {  	_ =	shalt  }
0x52: {  	_ =	shalt  }
0x53: {  	_ =	shalt  }
0x54: {  	_ =	shalt  }
0x55: {  	_ =	shalt  }
0x56: {  	_ =	shalt  }
0x57: {  	_ =	shalt  }
0x58: {  	_ =	shalt  }
0x59: {  	_ =	shalt  }
0x5a: {  	_ =	shalt  }
0x5b: {  	_ =	shalt  }
0x5c: {  	_ =	shalt  }
0x5d: {  	_ =	shalt  }
0x5e: {  	_ =	shalt  }
0x5f: {  	_ =	shalt  }
0x60: {  	_ =	shalt  }
0x61: {  	_ =	shalt  }
0x62: {  	_ =	shalt  }
0x63: {  	_ =	shalt  }
0x64: {  	_ =	shalt  }
0x65: {  	_ =	shalt  }
0x66: {  	_ =	shalt  }
0x67: {  	_ =	shalt  }
0x68: {  	_ =	shalt  }
0x69: {  	_ =	shalt  }
0x6a: {  	_ =	shalt  }
0x6b: {  	_ =	shalt  }
0x6c: {  	_ =	shalt  }
0x6d: {  	_ =	shalt  }
0x6e: {  	_ =	shalt  }
0x6f: {  	_ =	shalt  }
0x70: {  	_ =	shalt  }
0x71: {  	_ =	shalt  }
0x72: {  	_ =	shalt  }
0x73: {  	_ =	shalt  }
0x74: {  	_ =	shalt  }
0x75: {  	_ =	shalt  }
0x76: {  	_ =	shalt  }
0x77: {  	_ =	shalt  }
0x78: {  	_ =	shalt  }
0x79: {  	_ =	shalt  }
0x7a: {  	_ =	shalt  }
0x7b: {  	_ =	shalt  }
0x7c: {  	_ =	shalt  }
0x7d: {  	_ =	shalt  }
0x7e: {  	_ =	shalt  }
0x7f: {  	_ =	shalt  }
0x80: {  	_ =	shalt  }
0x81: {  	_ =	shalt  }
0x82: {  	_ =	shalt  }
0x83: {  	_ =	shalt  }
0x84: {  	_ =	shalt  }
0x85: {  	_ =	shalt  }
0x86: {  	_ =	shalt  }
0x87: {  	_ =	shalt  }
.Lfunc_end0:
.L_simem_size_0:
called_computation_lowered:
.L_overlay_start_0:
0x88: {  	s2 =	sld [smem:$0x3FD9]  }
0x89: {  	s3 =	sld [smem:$0x3FFE];
	_ =	sdelay $0x1  }
0x8a: {  	s1 =	srdreg.scid  }
0x8b: {  	s0 =	sand.u32 $0x1, s1  }
0x8c: {  	s14 =	sshll.u32 s0, $0xA;
	s2 =	sadd.s32 s3, s2  }
0x8d: {  	s2 =	sadd.s32 s2, s14  }
0x8e: {  	[smem:$0x3FC6] =	sst s2  }
0x8f: {  	_ = 	snop  }
0x90: {  	s2 =	sld [smem:$0x3FD0];
	_ =	sdelay $0x2  }
0x91: {  	s15 =	simm.s32 $0xA;
	s4 =	simm.s32 $0x10  }
0x92: {  	[smem:s4], [sflag:s15] =	dma.local [hbm:s2], $0x1  }
0x93: {  	_ =	swait.eq [sflag:s15], $0x1  }
0x94: {  	[sflag:s15] =	ssyncset.done $0x0  }
0x95: {  	[sflag:s15] =	ssyncadd.s32 $0xFFFFFFFF  }
0x96: {  	s16 =	sld [smem:$0x10];
	(tm) =	ssettm $0x1  }
0x97: {  	s17 =	sld [smem:$0x3FFB];
	_ =	sdelay $0x3  }
0x98: {  	_ =	strace s17  }
0x99: {  	s3 =	sld [smem:$0x3FFC];
	_ =	sdelay $0x3  }
0x9a: {  	_ =	strace s3  }
0x9b: {  	s3 =	sld [smem:$0x3FFD];
	_ =	sdelay $0x3  }
0x9c: {  	_ =	strace s3  }
0x9d: {  	_ =	strace $0x8FFFFFFF  }
0x9e: {  	s18 =	sld [smem:$0x3FDB];
	_ =	sdelay $0x1  }
0x9f: {  	s19 =	simm.s32 $_scs_section_size  }
0xa0: {  	s5 =	simm.s32 $_size__tile_overlayer_lowered;
	s6 =	simm.s32 $_tile_overlayer_lowered  }
0xa1: {  	s22 =	simm.s32 $0x1BFF;
	s21 =	sshll.u32 s6, $0x1;
	s3 =	sadd.s32 s19, s18  }
0xa2: {  	s7 =	simm.s32 $0x0;
	s20 =	sshll.u32 s5, $0x1;
	s5 =	sadd.s32 s21, s3  }
0xa3: {  	[timem:s7], [sflag:s22] =	dma.local [hbm:s5], s20  }
0xa4: {  	_ =	swait.ge [sflag:s22], s20  }
0xa5: {  	s4 =	ssub.s32 $0x0, s20;
	[sflag:s22] =	ssyncset.done $0x0  }
0xa6: {  	[sflag:s22] =	ssyncadd.s32 s4;
	_ =	sdelay $0x1  }
0xa7: {  	s23 =	simm.s32 $0x1B8B  }
0xa8: {  	_ =	swait.ge [sflag:s23], $0x1  }
0xa9: {  	[sflag:s23] =	ssyncset.done $0x0  }
0xaa: {  	s25 =	simm.s32 $0x1B8E;
	s24 =	sld [smem:$0x3FFE];
	[sflag:s23] =	ssyncadd.s32 $0xFFFFFFFF  }
0xab: {  	s26 =	simm.s32 $execute0_lowered;
	[smem:$0x3FD2] =	sst s25  }
0xac: {  	s5 =	sshll.u32 s26, $0x1;
	_ =	strace $0x80000046;
	[dreg:$0x1] =	wrdreg $0xFFFFFFFF  }
0xad: {  	s28 =	simm.s32 $_size_execute0_lowered;
	s3 =	sadd.s32 s3, s5;
	[dreg:$0x0] =	wrdreg $0x0  }
0xae: {  	s5 =	sshll.u32 s28, $0x1;
	[dreg:$0x2] =	wrdreg s3  }
0xaf: {  	[dreg:$0x3] =	wrdreg s5  }
0xb0: {  	[dreg:$0x4] =	wrdreg $0xC0  }
0xb1: {  	_ =	task [dreg:s7], $0x5FFFF  }
0xb2: {  	[dreg:$0x1] =	wrdreg $0xFFFFFFFF  }
0xb3: {  	[dreg:$0x0] =	wrdreg $0x60  }
0xb4: {  	[dreg:$0x2] =	wrdreg s24  }
0xb5: {  	[dreg:$0x3] =	wrdreg s16  }
0xb6: {  	[dreg:$0x4] =	wrdreg $0x9  }
0xb7: {  	_ =	task.clear_ibuf [dreg:s7], $0x5FFFF;
	_ =	strace $0x90000046  }
0xb8: {  	s29 =	simm.s32 $0x9;
	_ =	strace $0x80000048  }
0xb9: {  	_ =	swait.ge [sflag:s29], $0x1  }
0xba: {  	[sflag:s29] =	ssyncadd.s32 $0xFFFFFFFF  }
0xbb: {  	_ =	strace $0x90000048  }
0xbc: {  	_ =	sfence  }
0xbd: {  	s30 =	sld [smem:$0x0];
	_ =	sdelay $0x2  }
0xbe: {  	s31 =	sshll.u32 s1, $0xD;
	s1 =	sshrl.u32 s1, $0x2  }
0xbf: {  	s3 =	sand.u32 $0x4000, s31;
	s1 =	sadd.s32 s1, s30  }
0xc0: {  	s0 =	sor.u32 s3, s0;
	s1 =	sshll.u32 s1, $0x11  }
0xc1: {  	s0 =	sor.u32 s1, s0  }
0xc2: {  	s0 =	sadd.s32 $0x8F2B, s0  }
0xc3: {  	[sflag:s0] =	ssyncadd.remote.s32 $0x1  }
0xc4: {  	_ =	sfence.sel $0xFFFF  }
0xc5: {  	[dreg:$0x0] =	wrdreg $0xFFFFFFFF;
	(pc) =	sbr.abs _section_cstart, $3  }
0xc6: {  	[dreg:$0x1] =	wrdreg $0xFFFFFFFF  }
0xc7: {  	_ =	task.clear_ibuf [dreg:s7], $0x2FFFF;
	_ =	strace $0x9FFFFFFF  }
0xc8: {  	(tm) =	ssettm $0x7FFFFFFF  }
0xc9: {  	_ =	shalt  }
tec
execute0_lowered:
.L_overlay_start_1:
0x0: {  	(tag) =	ssettag $0x1  }
0x1: {  	s1 =	srdreg.scid  }
0x2: {  	s0 =	stileid.u32;
	s3 =	rddreg [dreg:$0x0]  }
0x3: {  	s5 =	rddreg [dreg:$0x1];
	s19 =	simm.s32 $0x900;
	s20 =	simm.s32 $0x1100  }
0x4: {  	s21 =	simm.s32 $0x1900;
	s23 =	simm.s32 $0x2100;
	s24 =	simm.s32 $0x2900  }
0x5: {  	s25 =	simm.s32 $0x3100;
	s26 =	simm.s32 $0x3900;
	s8 =	simm.s32 $0x4900  }
0x6: {  	s9 =	simm.s32 $0x5100;
	s10 =	simm.s32 $0x5900;
	s11 =	simm.s32 $0x6100  }
0x7: {  	s12 =	simm.s32 $0x6900;
	s13 =	simm.s32 $0x7100;
	s14 =	simm.s32 $0x7900  }
0x8: {  	s15 =	simm.s32 $0x8100;
	s16 =	simm.s32 $0x8900;
	s1 =	sand.u32 $0x1, s1  }
0x9: {  	s17 =	simm.s32 $0x9100;
	s2 =	sshll.u32 s0, $0x9;
	s4 =	sshll.u32 s1, $0x8  }
0xa: {  	s18 =	simm.s32 $0x9900;
	s4 =	sor.u32 s4, s2;
	s2 =	simm.s32 $0x0  }
0xb: {  	s28 =	simm.s32 $0xE100;
	s29 =	simm.s32 $0xE900;
	[smem:$0x7FF] =	sst s2  }
0xc: {  	s30 =	simm.s32 $0xF100;
	_ =	strace $0x80000047;
	[dreg:$0x5] =	wrdreg s19  }
0xd: {  	s31 =	simm.s32 $0xF900;
	s1 =	ssub.s32 $0x2, s1;
	[dreg:$0x6] =	wrdreg s20  }
0xe: {  	s22 =	sshrl.u32 s1, $0x1;
	s6 =	sshrl.u32 s4, $0x3;
	[dreg:$0x7] =	wrdreg s21  }
0xf: {  	s4 =	sshll.u32 s4, $0x5;
	s1 =	ssub.s32 s1, s22;
	[dreg:$0x8] =	wrdreg s23  }
0x10: {  	s22 =	simm.s32 $0xB900;
	s6 =	sadd.s32 s6, s3;
	[dreg:$0x9] =	wrdreg s24  }
0x11: {  	s4 =	sadd.s32 s5, s4;
	s3 =	sadd.s32 $0xC00, s3;
	[dreg:$0xa] =	wrdreg s25  }
0x12: {  	s5 =	simm.s32 $0x2;
	[dreg:$0xb] =	wrdreg s26;
	s19 =	simm.s32 $0xA100  }
0x13: {  	s20 =	simm.s32 $0xA900;
	s21 =	simm.s32 $0xB100;
	s23 =	simm.s32 $0xC100  }
0x14: {  	v2 =	vlaneseq.u32;
	s24 =	simm.s32 $0xC900;
	s25 =	simm.s32 $0xD100;
	s26 =	simm.s32 $0xD900  }
0x15: {  	vm0 =	vmmov $0xffff;
	v1 =	vshrl.u32 v2, $0x3;
	s6 =	sadd.s32 $0x40200, s6;
	[dreg:$0x4] =	wrdreg s4;
	s4 =	smax.u32 s1, $0x1  }
0x16: {  	v0 =	vand.u32 $0x7, v2;
	v2 =	vor.u32 $0x8, v2;
	v1 =	vmul.u32 $0x8, v1;
	s1 =	simm.s32 $0x1;
	[dreg:$0x3] =	wrdreg s6;
	s6 =	simm.s32 $0x100  }
.LBB2_1:
0x17: {  	s0 =	rddreg [dreg:$0x3]  }
0x18: {  	[tilespmem:s2], [sflag:$0x2] =	stream.linear.gather [hbm4b:s0+s2], $0x100, $0x38;
	[tilespmem:$0x10100] =	vst v63  }
0x19: {  	_ =	swait.ge [sflag:s5], $0x100  }
0x1a: {  	[sflag:s5] =	ssyncset.done $0x0  }
0x1b: {  	[sflag:s5] =	ssyncadd.s32 $0xFFFFFF00  }
0x1c: {  	v3 =	vld [tilespmem:$0x0];
	_ =	sdelay $0x4  }
0x1d: {  	v4 =	vshll.u32 v3, $0x1  }
0x1e: {  	v3 =	vand.u32 $0x7, v3;
	v4 =	vand.u32 $0xFFFFFFF0, v4  }
0x1f: {  	v3 =	vor.u32 v3, v4  }
0x20: {  	v4 =	vperm.xlane v3, v0;
	_ =	sdelay $0x1  }
0x21: {  	v3 =	vperm.xlane v3, v2;
	v4 =	vadd.s32 v1, v4;
	_ =	sdelay $0x1  }
0x22: {  	v3 =	vadd.s32 v1, v3;
	_ =	sdelay $0x2  }
0x23: {  	[tilespmem:s6], [sflag:$0x1] =	stream.indirect_vreg.gather [hbm4b:s3+s2], $0x80, v4, vm0, $0xb8;
	[tilespmem:$0x10100] =	vst v63  }
0x24: {  	s7 =	rddreg [dreg:$0x5]  }
0x25: {  	[tilespmem:s7], [sflag:$0x1] =	stream.indirect_vreg.gather [hbm4b:s3+s2], $0x80, v3, vm0, $0xb8;
	[tilespmem:$0x10100] =	vst v63  }
0x26: {  	v3 =	vld [tilespmem:$0x10];
	_ =	sdelay $0x4  }
0x27: {  	v49 =	vshll.u32 v3, $0x1  }
0x28: {  	v3 =	vand.u32 $0x7, v3;
	v4 =	vand.u32 $0xFFFFFFF0, v49  }
0x29: {  	v3 =	vor.u32 v3, v4  }
0x2a: {  	v4 =	vperm.xlane v3, v0;
	_ =	sdelay $0x1  }
0x2b: {  	v3 =	vperm.xlane v3, v2;
	v4 =	vadd.s32 v1, v4;
	_ =	sdelay $0x1  }
0x2c: {  	v3 =	vadd.s32 v1, v3;
	_ =	sdelay $0x1  }
0x2d: {  	s0 =	rddreg [dreg:$0x6]  }
0x2e: {  	[tilespmem:s0], [sflag:$0x1] =	stream.indirect_vreg.gather [hbm4b:s3+s2], $0x80, v4, vm0, $0xb8;
	[tilespmem:$0x10100] =	vst v63  }
0x2f: {  	s7 =	rddreg [dreg:$0x7]  }
0x30: {  	[tilespmem:s7], [sflag:$0x1] =	stream.indirect_vreg.gather [hbm4b:s3+s2], $0x80, v3, vm0, $0xb8;
	[tilespmem:$0x10100] =	vst v63  }
0x31: {  	v3 =	vld [tilespmem:$0x20];
	_ =	sdelay $0x4  }
0x32: {  	v50 =	vshll.u32 v3, $0x1  }
0x33: {  	v3 =	vand.u32 $0x7, v3;
	v4 =	vand.u32 $0xFFFFFFF0, v50  }
0x34: {  	v3 =	vor.u32 v3, v4  }
0x35: {  	v4 =	vperm.xlane v3, v0;
	_ =	sdelay $0x1  }
0x36: {  	v3 =	vperm.xlane v3, v2;
	v4 =	vadd.s32 v1, v4;
	_ =	sdelay $0x1  }
0x37: {  	v3 =	vadd.s32 v1, v3;
	_ =	sdelay $0x1  }
0x38: {  	s0 =	rddreg [dreg:$0x8]  }
0x39: {  	[tilespmem:s0], [sflag:$0x1] =	stream.indirect_vreg.gather [hbm4b:s3+s2], $0x80, v4, vm0, $0xb8;
	[tilespmem:$0x10100] =	vst v63  }
0x3a: {  	s7 =	rddreg [dreg:$0x9]  }
0x3b: {  	[tilespmem:s7], [sflag:$0x1] =	stream.indirect_vreg.gather [hbm4b:s3+s2], $0x80, v3, vm0, $0xb8;
	[tilespmem:$0x10100] =	vst v63  }
0x3c: {  	v3 =	vld [tilespmem:$0x30];
	_ =	sdelay $0x4  }
0x3d: {  	v51 =	vshll.u32 v3, $0x1  }
0x3e: {  	v3 =	vand.u32 $0x7, v3;
	v4 =	vand.u32 $0xFFFFFFF0, v51  }
0x3f: {  	v3 =	vor.u32 v3, v4  }
0x40: {  	v4 =	vperm.xlane v3, v0;
	_ =	sdelay $0x1  }
0x41: {  	v3 =	vperm.xlane v3, v2;
	v4 =	vadd.s32 v1, v4;
	_ =	sdelay $0x1  }
0x42: {  	v3 =	vadd.s32 v1, v3;
	_ =	sdelay $0x1  }
0x43: {  	s0 =	rddreg [dreg:$0xa]  }
0x44: {  	[tilespmem:s0], [sflag:$0x1] =	stream.indirect_vreg.gather [hbm4b:s3+s2], $0x80, v4, vm0, $0xb8;
	[tilespmem:$0x10100] =	vst v63  }
0x45: {  	s7 =	rddreg [dreg:$0xb]  }
0x46: {  	[tilespmem:s7], [sflag:$0x1] =	stream.indirect_vreg.gather [hbm4b:s3+s2], $0x80, v3, vm0, $0xb8;
	[tilespmem:$0x10100] =	vst v63  }
0x47: {  	v3 =	vld [tilespmem:$0x40];
	_ =	sdelay $0x4  }
0x48: {  	v52 =	vshll.u32 v3, $0x1  }
0x49: {  	v3 =	vand.u32 $0x7, v3;
	v4 =	vand.u32 $0xFFFFFFF0, v52  }
0x4a: {  	v3 =	vor.u32 v3, v4  }
0x4b: {  	v4 =	vperm.xlane v3, v0;
	_ =	sdelay $0x1  }
0x4c: {  	v3 =	vperm.xlane v3, v2;
	v4 =	vadd.s32 v1, v4;
	_ =	sdelay $0x1  }
0x4d: {  	v3 =	vadd.s32 v1, v3;
	_ =	sdelay $0x1  }
0x4e: {  	s7 =	simm.s32 $0x4100  }
0x4f: {  	[tilespmem:s7], [sflag:$0x1] =	stream.indirect_vreg.gather [hbm4b:s3+s2], $0x80, v4, vm0, $0xb8;
	[tilespmem:$0x10100] =	vst v63  }
0x50: {  	_ = 	snop  }
0x51: {  	[tilespmem:s8], [sflag:$0x1] =	stream.indirect_vreg.gather [hbm4b:s3+s2], $0x80, v3, vm0, $0xb8;
	[tilespmem:$0x10100] =	vst v63  }
0x52: {  	v3 =	vld [tilespmem:$0x50];
	_ =	sdelay $0x4  }
0x53: {  	v53 =	vshll.u32 v3, $0x1  }
0x54: {  	v3 =	vand.u32 $0x7, v3;
	v4 =	vand.u32 $0xFFFFFFF0, v53  }
0x55: {  	v3 =	vor.u32 v3, v4  }
0x56: {  	v4 =	vperm.xlane v3, v0;
	_ =	sdelay $0x1  }
0x57: {  	v3 =	vperm.xlane v3, v2;
	v4 =	vadd.s32 v1, v4;
	_ =	sdelay $0x1  }
0x58: {  	v3 =	vadd.s32 v1, v3;
	_ =	sdelay $0x2  }
0x59: {  	[tilespmem:s9], [sflag:$0x1] =	stream.indirect_vreg.gather [hbm4b:s3+s2], $0x80, v4, vm0, $0xb8;
	[tilespmem:$0x10100] =	vst v63  }
0x5a: {  	_ = 	snop  }
0x5b: {  	[tilespmem:s10], [sflag:$0x1] =	stream.indirect_vreg.gather [hbm4b:s3+s2], $0x80, v3, vm0, $0xb8;
	[tilespmem:$0x10100] =	vst v63  }
0x5c: {  	v3 =	vld [tilespmem:$0x60];
	_ =	sdelay $0x4  }
0x5d: {  	v54 =	vshll.u32 v3, $0x1  }
0x5e: {  	v3 =	vand.u32 $0x7, v3;
	v4 =	vand.u32 $0xFFFFFFF0, v54  }
0x5f: {  	v3 =	vor.u32 v3, v4  }
0x60: {  	v4 =	vperm.xlane v3, v0;
	_ =	sdelay $0x1  }
0x61: {  	v3 =	vperm.xlane v3, v2;
	v4 =	vadd.s32 v1, v4;
	_ =	sdelay $0x1  }
0x62: {  	v3 =	vadd.s32 v1, v3;
	_ =	sdelay $0x2  }
0x63: {  	[tilespmem:s11], [sflag:$0x1] =	stream.indirect_vreg.gather [hbm4b:s3+s2], $0x80, v4, vm0, $0xb8;
	[tilespmem:$0x10100] =	vst v63  }
0x64: {  	_ = 	snop  }
0x65: {  	[tilespmem:s12], [sflag:$0x1] =	stream.indirect_vreg.gather [hbm4b:s3+s2], $0x80, v3, vm0, $0xb8;
	[tilespmem:$0x10100] =	vst v63  }
0x66: {  	v3 =	vld [tilespmem:$0x70];
	_ =	sdelay $0x4  }
0x67: {  	v55 =	vshll.u32 v3, $0x1  }
0x68: {  	v3 =	vand.u32 $0x7, v3;
	v4 =	vand.u32 $0xFFFFFFF0, v55  }
0x69: {  	v3 =	vor.u32 v3, v4  }
0x6a: {  	v4 =	vperm.xlane v3, v0;
	_ =	sdelay $0x1  }
0x6b: {  	v3 =	vperm.xlane v3, v2;
	v4 =	vadd.s32 v1, v4;
	_ =	sdelay $0x1  }
0x6c: {  	v3 =	vadd.s32 v1, v3;
	_ =	sdelay $0x2  }
0x6d: {  	[tilespmem:s13], [sflag:$0x1] =	stream.indirect_vreg.gather [hbm4b:s3+s2], $0x80, v4, vm0, $0xb8;
	[tilespmem:$0x10100] =	vst v63  }
0x6e: {  	_ = 	snop  }
0x6f: {  	[tilespmem:s14], [sflag:$0x1] =	stream.indirect_vreg.gather [hbm4b:s3+s2], $0x80, v3, vm0, $0xb8;
	[tilespmem:$0x10100] =	vst v63  }
0x70: {  	v3 =	vld [tilespmem:$0x80];
	_ =	sdelay $0x4  }
0x71: {  	v56 =	vshll.u32 v3, $0x1  }
0x72: {  	v3 =	vand.u32 $0x7, v3;
	v4 =	vand.u32 $0xFFFFFFF0, v56  }
0x73: {  	v3 =	vor.u32 v3, v4  }
0x74: {  	v4 =	vperm.xlane v3, v0;
	_ =	sdelay $0x1  }
0x75: {  	v3 =	vperm.xlane v3, v2;
	v4 =	vadd.s32 v1, v4;
	_ =	sdelay $0x1  }
0x76: {  	v3 =	vadd.s32 v1, v3;
	_ =	sdelay $0x2  }
0x77: {  	[tilespmem:s15], [sflag:$0x1] =	stream.indirect_vreg.gather [hbm4b:s3+s2], $0x80, v4, vm0, $0xb8;
	[tilespmem:$0x10100] =	vst v63  }
0x78: {  	_ = 	snop  }
0x79: {  	[tilespmem:s16], [sflag:$0x1] =	stream.indirect_vreg.gather [hbm4b:s3+s2], $0x80, v3, vm0, $0xb8;
	[tilespmem:$0x10100] =	vst v63  }
0x7a: {  	v3 =	vld [tilespmem:$0x90];
	_ =	sdelay $0x4  }
0x7b: {  	v57 =	vshll.u32 v3, $0x1  }
0x7c: {  	v3 =	vand.u32 $0x7, v3;
	v4 =	vand.u32 $0xFFFFFFF0, v57  }
0x7d: {  	v3 =	vor.u32 v3, v4  }
0x7e: {  	v4 =	vperm.xlane v3, v0;
	_ =	sdelay $0x1  }
0x7f: {  	v3 =	vperm.xlane v3, v2;
	v4 =	vadd.s32 v1, v4;
	_ =	sdelay $0x1  }
0x80: {  	v3 =	vadd.s32 v1, v3;
	_ =	sdelay $0x2  }
0x81: {  	[tilespmem:s17], [sflag:$0x1] =	stream.indirect_vreg.gather [hbm4b:s3+s2], $0x80, v4, vm0, $0xb8;
	[tilespmem:$0x10100] =	vst v63  }
0x82: {  	_ = 	snop  }
0x83: {  	[tilespmem:s18], [sflag:$0x1] =	stream.indirect_vreg.gather [hbm4b:s3+s2], $0x80, v3, vm0, $0xb8;
	[tilespmem:$0x10100] =	vst v63  }
0x84: {  	v3 =	vld [tilespmem:$0xA0];
	_ =	sdelay $0x4  }
0x85: {  	v58 =	vshll.u32 v3, $0x1  }
0x86: {  	v3 =	vand.u32 $0x7, v3;
	v4 =	vand.u32 $0xFFFFFFF0, v58  }
0x87: {  	v3 =	vor.u32 v3, v4  }
0x88: {  	v4 =	vperm.xlane v3, v0;
	_ =	sdelay $0x1  }
0x89: {  	v3 =	vperm.xlane v3, v2;
	v4 =	vadd.s32 v1, v4;
	_ =	sdelay $0x1  }
0x8a: {  	v3 =	vadd.s32 v1, v3;
	_ =	sdelay $0x2  }
0x8b: {  	[tilespmem:s19], [sflag:$0x1] =	stream.indirect_vreg.gather [hbm4b:s3+s2], $0x80, v4, vm0, $0xb8;
	[tilespmem:$0x10100] =	vst v63  }
0x8c: {  	_ = 	snop  }
0x8d: {  	[tilespmem:s20], [sflag:$0x1] =	stream.indirect_vreg.gather [hbm4b:s3+s2], $0x80, v3, vm0, $0xb8;
	[tilespmem:$0x10100] =	vst v63  }
0x8e: {  	v3 =	vld [tilespmem:$0xB0];
	_ =	sdelay $0x4  }
0x8f: {  	v59 =	vshll.u32 v3, $0x1  }
0x90: {  	v3 =	vand.u32 $0x7, v3;
	v4 =	vand.u32 $0xFFFFFFF0, v59  }
0x91: {  	v3 =	vor.u32 v3, v4  }
0x92: {  	v4 =	vperm.xlane v3, v0;
	_ =	sdelay $0x1  }
0x93: {  	v3 =	vperm.xlane v3, v2;
	v4 =	vadd.s32 v1, v4;
	_ =	sdelay $0x1  }
0x94: {  	v3 =	vadd.s32 v1, v3;
	_ =	sdelay $0x2  }
0x95: {  	[tilespmem:s21], [sflag:$0x1] =	stream.indirect_vreg.gather [hbm4b:s3+s2], $0x80, v4, vm0, $0xb8;
	[tilespmem:$0x10100] =	vst v63  }
0x96: {  	_ = 	snop  }
0x97: {  	[tilespmem:s22], [sflag:$0x1] =	stream.indirect_vreg.gather [hbm4b:s3+s2], $0x80, v3, vm0, $0xb8;
	[tilespmem:$0x10100] =	vst v63  }
0x98: {  	v3 =	vld [tilespmem:$0xC0];
	_ =	sdelay $0x4  }
0x99: {  	v60 =	vshll.u32 v3, $0x1  }
0x9a: {  	v3 =	vand.u32 $0x7, v3;
	v4 =	vand.u32 $0xFFFFFFF0, v60  }
0x9b: {  	v3 =	vor.u32 v3, v4  }
0x9c: {  	v4 =	vperm.xlane v3, v0;
	_ =	sdelay $0x1  }
0x9d: {  	v3 =	vperm.xlane v3, v2;
	v4 =	vadd.s32 v1, v4;
	_ =	sdelay $0x1  }
0x9e: {  	v3 =	vadd.s32 v1, v3;
	_ =	sdelay $0x2  }
0x9f: {  	[tilespmem:s23], [sflag:$0x1] =	stream.indirect_vreg.gather [hbm4b:s3+s2], $0x80, v4, vm0, $0xb8;
	[tilespmem:$0x10100] =	vst v63  }
0xa0: {  	_ = 	snop  }
0xa1: {  	[tilespmem:s24], [sflag:$0x1] =	stream.indirect_vreg.gather [hbm4b:s3+s2], $0x80, v3, vm0, $0xb8;
	[tilespmem:$0x10100] =	vst v63  }
0xa2: {  	v3 =	vld [tilespmem:$0xD0];
	_ =	sdelay $0x4  }
0xa3: {  	v61 =	vshll.u32 v3, $0x1  }
0xa4: {  	v3 =	vand.u32 $0x7, v3;
	v4 =	vand.u32 $0xFFFFFFF0, v61  }
0xa5: {  	v3 =	vor.u32 v3, v4  }
0xa6: {  	v4 =	vperm.xlane v3, v0;
	_ =	sdelay $0x1  }
0xa7: {  	v3 =	vperm.xlane v3, v2;
	v4 =	vadd.s32 v1, v4;
	_ =	sdelay $0x1  }
0xa8: {  	v3 =	vadd.s32 v1, v3;
	_ =	sdelay $0x2  }
0xa9: {  	[tilespmem:s25], [sflag:$0x1] =	stream.indirect_vreg.gather [hbm4b:s3+s2], $0x80, v4, vm0, $0xb8;
	[tilespmem:$0x10100] =	vst v63  }
0xaa: {  	_ = 	snop  }
0xab: {  	[tilespmem:s26], [sflag:$0x1] =	stream.indirect_vreg.gather [hbm4b:s3+s2], $0x80, v3, vm0, $0xb8;
	[tilespmem:$0x10100] =	vst v63  }
0xac: {  	v3 =	vld [tilespmem:$0xE0];
	_ =	sdelay $0x4  }
0xad: {  	v62 =	vshll.u32 v3, $0x1  }
0xae: {  	v3 =	vand.u32 $0x7, v3;
	v4 =	vand.u32 $0xFFFFFFF0, v62  }
0xaf: {  	v3 =	vor.u32 v3, v4  }
0xb0: {  	v4 =	vperm.xlane v3, v0;
	_ =	sdelay $0x1  }
0xb1: {  	v3 =	vperm.xlane v3, v2;
	v4 =	vadd.s32 v1, v4;
	_ =	sdelay $0x1  }
0xb2: {  	v3 =	vadd.s32 v1, v3;
	_ =	sdelay $0x2  }
0xb3: {  	[tilespmem:s28], [sflag:$0x1] =	stream.indirect_vreg.gather [hbm4b:s3+s2], $0x80, v4, vm0, $0xb8;
	[tilespmem:$0x10100] =	vst v63  }
0xb4: {  	_ = 	snop  }
0xb5: {  	[tilespmem:s29], [sflag:$0x1] =	stream.indirect_vreg.gather [hbm4b:s3+s2], $0x80, v3, vm0, $0xb8;
	[tilespmem:$0x10100] =	vst v63  }
0xb6: {  	v3 =	vld [tilespmem:$0xF0];
	_ =	sdelay $0x4  }
0xb7: {  	v63 =	vshll.u32 v3, $0x1  }
0xb8: {  	v3 =	vand.u32 $0x7, v3;
	v4 =	vand.u32 $0xFFFFFFF0, v63  }
0xb9: {  	v3 =	vor.u32 v3, v4  }
0xba: {  	v4 =	vperm.xlane v3, v0;
	_ =	sdelay $0x1  }
0xbb: {  	v3 =	vperm.xlane v3, v2;
	v4 =	vadd.s32 v1, v4;
	_ =	sdelay $0x1  }
0xbc: {  	v3 =	vadd.s32 v1, v3;
	_ =	sdelay $0x2  }
0xbd: {  	[tilespmem:s30], [sflag:$0x1] =	stream.indirect_vreg.gather [hbm4b:s3+s2], $0x80, v4, vm0, $0xb8;
	[tilespmem:$0x10100] =	vst v63  }
0xbe: {  	_ = 	snop  }
0xbf: {  	[tilespmem:s31], [sflag:$0x1] =	stream.indirect_vreg.gather [hbm4b:s3+s2], $0x80, v3, vm0, $0xb8;
	[tilespmem:$0x10100] =	vst v63  }
0xc0: {  	_ =	swait.ge [sflag:s1], $0x10000  }
0xc1: {  	p0 =	sne.s32 s4, $0x1;
	[sflag:s1] =	ssyncset.done $0x0  }
.Ltmp0:
0xc2: {  	s7 =	rddreg [dreg:$0x4];
	[sflag:s1] =	ssyncadd.s32 $0xFFFF0000;
	(pc) =	sbr.rel @p0 .LBB2_1-.Ltmp0, $4  }
0xc3: {  	[hbm4b:s7+s2] =	stream.linear.scatter [tilespmem:s6], [sflag:$0x2], $0x10000, $0x38;
	[tilespmem:$0x10100] =	vst v63  }
0xc4: {  	_ =	swait.ge [sflag:s5], $0x10000  }
0xc5: {  	[sflag:s5] =	ssyncset.done $0x0  }
0xc6: {  	s4 =	sadd.s32 $0xFFFFFFFF, s4;
	[sflag:s5] =	ssyncadd.s32 $0xFFFF0000  }
0xc7: {  	_ =	sfence.sel $0x180000  }
0xc8: {  	[bflag:$0x0] =	sbarrier.arrive $0xFFFF  }
0xc9: {  	_ =	strace $0x90000047  }
0xca: {  	s0 =	stileid.u32;
	[bflag:$0x2] =	sbarrier.arrive $0xFFFF  }
0xcb: {  	p0 =	sne.s32 s0, $0x0;
	s0 =	rddreg [dreg:$0x2]  }
0xcc: {  	s0 =	sadd.s32 @!p0 $0x100000, s0  }
0xcd: {  	[sflag:s0] =	ssyncadd.tile.s32 @!p0 $0x1;
	_ =	shalt  }
.Lfunc_end2:
_tile_overlayer_lowered:
.L_overlay_start_2:
0xce: {  	(tag) =	ssettag $0x2  }
0xcf: {  	s0 =	rddreg [dreg:$0x0];
	s2 =	stileid.u32  }
0xd0: {  	s1 =	rddreg [dreg:$0x1];
	p0 =	sne.s32 s2, $0x0  }
0xd1: {  	s3 =	rddreg [dreg:$0x2];
	[bflag:$0x3] =	sbarrier.arrive $0xFFFF;
	s2 =	simm.s32 @!p0 $0x1C02  }
0xd2: {  	[timem:s3], [sflag:s2] =	dma.local @!p0 [hbm:s0], s1  }
0xd3: {  	s0 =	simm.s32 @!p0 $0x2  }
0xd4: {  	_ =	swait.ge @!p0 [sflag:s0], s1  }
0xd5: {  	s1 =	ssub.s32 @!p0 $0x0, s1;
	[sflag:s0] =	ssyncset.done @!p0 $0x0  }
0xd6: {  	[sflag:s0] =	ssyncadd.s32 @!p0 s1  }
0xd7: {  	[bflag:$0x3] =	sbarrier.arrive $0xFFFF  }
0xd8: {  	_ =	shalt  }

</sc_bundles>
